<compile_context>
chip_gen: v7x
topology: tpu7x:2x2x1
jax: 0.10.2.dev20260603
libtpu: 0.0.44.dev20260713+nightly
codegen_flags: <defaults>
</compile_context>

<pallas_src>
import functools

import jax
import jax.numpy as jnp
from jax import lax
from jax.experimental import pallas as pl
from jax.experimental.pallas import tpu as pltpu
from jax.experimental.pallas import tpu_sc as plsc

M, B, D = 100000, 16384, 64
LANES = 16
NC, NS = 2, 16
NW = NC * NS
CHUNK = 3136
M_PAD = NW * CHUNK
GROUPS = B // LANES
UNROLL = 2
N_PER_W = B // NW
ICH = 128
NCH = N_PER_W // ICH


def _mesh():
    return plsc.VectorSubcoreMesh(core_axis_name="c", subcore_axis_name="s")


_SC_PARAMS = pltpu.CompilerParams(
    needs_layout_passes=False, use_tc_tiling_on_sc=False)


def _scan_one_group(idx_v, tbl_v, base, lane, g):
    iv = idx_v[pl.ds(g * LANES, LANES)]
    loc = iv - base
    inr = plsc.bitcast(loc, jnp.uint32) < jnp.uint32(CHUNK)
    locc = jnp.clip(loc, 0, CHUNK - 1)
    jv = lane + g * LANES
    plsc.store_scatter(tbl_v, [locc], jv, mask=inr)
    t = plsc.load_gather(tbl_v, [locc], mask=inr)
    m = inr & (jv > t)
    plsc.store_scatter(tbl_v, [locc], jv, mask=m)


@functools.partial(
    pl.kernel,
    out_type=(
        jax.ShapeDtypeStruct((M_PAD,), jnp.int32),
        jax.ShapeDtypeStruct((B, D), jnp.float32),
    ),
    mesh=_mesh(),
    compiler_params=_SC_PARAMS,
    scratch_types=[
        pltpu.VMEM((B,), jnp.int32),
        pltpu.VMEM((CHUNK,), jnp.int32),
        pltpu.VMEM((N_PER_W,), jnp.int32),
        pltpu.VMEM((N_PER_W, D), jnp.float32),
        pltpu.SemaphoreType.DMA,
    ],
)
def _build_table(idx_hbm, ri_hbm, mem_hbm, t_hbm, a_hbm,
                 idx_v, tbl_v, ri_v, a_v, sem_a):
    wid = lax.axis_index("s") * NC + lax.axis_index("c")
    base = wid * CHUNK
    rbase = wid * N_PER_W

    pltpu.sync_copy(ri_hbm.at[pl.ds(rbase, N_PER_W)], ri_v)
    a_copies = [
        pltpu.async_copy(mem_hbm.at[ri_v.at[pl.ds(c * ICH, ICH)]],
                         a_v.at[pl.ds(c * ICH, ICH)], sem_a)
        for c in range(NCH)
    ]

    def fill(i, carry):
        tbl_v[pl.ds(i * LANES, LANES)] = jnp.full((LANES,), -1, jnp.int32)
        return carry

    lax.fori_loop(0, CHUNK // LANES, fill, 0)

    pltpu.sync_copy(idx_hbm, idx_v)
    lane = lax.iota(jnp.int32, LANES)

    def body(gg, carry):
        for u in range(UNROLL):
            _scan_one_group(idx_v, tbl_v, base, lane, gg * UNROLL + u)
        return carry

    lax.fori_loop(0, GROUPS // UNROLL, body, 0)
    pltpu.sync_copy(tbl_v, t_hbm.at[pl.ds(base, CHUNK)])

    for cp in a_copies:
        cp.wait()
    pltpu.sync_copy(a_v, a_hbm.at[pl.ds(rbase, N_PER_W)])


@functools.partial(
    pl.kernel,
    out_type=(
        jax.ShapeDtypeStruct((B,), jnp.int32),
        jax.ShapeDtypeStruct((B, D), jnp.float32),
    ),
    mesh=_mesh(),
    compiler_params=_SC_PARAMS,
    scratch_types=[
        pltpu.VMEM((M_PAD,), jnp.int32),
        pltpu.VMEM((N_PER_W,), jnp.int32),
        pltpu.VMEM((N_PER_W,), jnp.int32),
        pltpu.VMEM((N_PER_W,), jnp.int32),
        pltpu.VMEM((2, ICH, D), jnp.float32),
        pltpu.SemaphoreType.DMA,
        pltpu.SemaphoreType.DMA,
    ],
)
def _gather_rows(t_hbm, val_hbm, ri_hbm, jr_hbm, b_hbm,
                 t_v, ri_v, jr_v, jb_v, b_v, sem_t, sem_b):
    wid = lax.axis_index("s") * NC + lax.axis_index("c")
    base = wid * N_PER_W

    t_cp = pltpu.async_copy(t_hbm, t_v, sem_t)
    pltpu.sync_copy(ri_hbm.at[pl.ds(base, N_PER_W)], ri_v)
    t_cp.wait()

    lane = lax.iota(jnp.int32, LANES)
    for i in range(N_PER_W // LANES):
        ri16 = ri_v[pl.ds(i * LANES, LANES)]
        jr16 = plsc.load_gather(t_v, [ri16])
        jr_v[pl.ds(i * LANES, LANES)] = jr16
        filler = lane + (base + i * LANES)
        jb_v[pl.ds(i * LANES, LANES)] = jnp.where(jr16 >= 0, jr16, filler)

    def _fire(c):
        return pltpu.async_copy(val_hbm.at[jb_v.at[pl.ds(c * ICH, ICH)]],
                                b_v.at[c % 2], sem_b)

    def _drain(cp, c):
        cp.wait()
        pltpu.sync_copy(b_v.at[c % 2],
                        b_hbm.at[pl.ds(base + c * ICH, ICH)])

    cps = [_fire(0), _fire(1)]
    for c in range(NCH):
        _drain(cps[c], c)
        if c + 2 < NCH:
            cps.append(_fire(c + 2))

    pltpu.sync_copy(jr_v, jr_hbm.at[pl.ds(base, N_PER_W)])


_BLK = 2048


def _math_body(val_ref, a_ref, b_ref, jr_ref, out_ref):
    hit = jr_ref[...] >= 0
    sel = jnp.where(hit, b_ref[...], a_ref[...])
    v = val_ref[...]

    def proj(x):
        n2 = jnp.sum(x * x, axis=-1, keepdims=True)
        n = jnp.sqrt(n2)
        return x * (jnp.tanh(n) / (n + 1e-6))

    q = proj(v)
    read = proj(sel)
    x2 = jnp.sum(q * q, axis=-1, keepdims=True)
    y2 = jnp.sum(read * read, axis=-1, keepdims=True)
    diff2 = jnp.sum((q - read) ** 2, axis=-1, keepdims=True)
    denom = jnp.maximum((1.0 - x2) * (1.0 - y2), 1e-9)
    t = jnp.maximum(2.0 * diff2 / denom, 1e-6)
    dist = jnp.log1p(t + jnp.sqrt(t * (t + 2.0)))
    mem_norm = jnp.sqrt(y2)
    decay = 1.0 - mem_norm
    busemann = dist + mem_norm * (1.0 - decay)
    out_ref[...] = read * jax.nn.sigmoid(-busemann)


def _math(val, a, b, jr):
    grid = (B // _BLK,)
    return pl.pallas_call(
        _math_body,
        grid=grid,
        in_specs=[
            pl.BlockSpec((_BLK, D), lambda i: (i, 0)),
            pl.BlockSpec((_BLK, D), lambda i: (i, 0)),
            pl.BlockSpec((_BLK, D), lambda i: (i, 0)),
            pl.BlockSpec((_BLK, 1), lambda i: (i, 0)),
        ],
        out_specs=pl.BlockSpec((_BLK, D), lambda i: (i, 0)),
        out_shape=jax.ShapeDtypeStruct((B, D), jnp.float32),
    )(val, a, b, jr)


def kernel(mem, idx, val, read_idx):
    idx32 = idx.astype(jnp.int32)
    ri32 = read_idx.astype(jnp.int32)
    t, a = _build_table(idx32, ri32, mem)
    jr1, b = _gather_rows(t, val, ri32)
    jr = jr1.reshape(B, 1)
    return _math(val, a, b, jr)

# --- scband reference (transcript-rebuilt; emitter-appended) ---
"""Pipeline reference for scband-hyperbolic-memory-layer-28707561407111 (READ-ONLY COPY).

The authoritative reference and input builder live on the scoring server;
editing this copy changes nothing except your own understanding.
"""

import jax, jax.numpy as jnp
import numpy as np


def tangent_to_poincare(x):
    # exp map at origin of Poincare disk: scale tangent vector so norm < 1
    norm = jnp.linalg.norm(x, axis=-1, keepdims=True)
    scale = jnp.tanh(norm) / (norm + 1e-6)
    return x * scale


def poincare_distance(x, y):
    x2 = jnp.sum(x * x, axis=-1)
    y2 = jnp.sum(y * y, axis=-1)
    diff2 = jnp.sum((x - y) ** 2, axis=-1)
    denom = jnp.maximum((1.0 - x2) * (1.0 - y2), 1e-9)
    arg = 1.0 + 2.0 * diff2 / denom
    return jnp.arccosh(jnp.maximum(arg, 1.0 + 1e-6))


def setup_inputs(seed: int = 0) -> dict:
    key = jax.random.key(seed)
    k0, k1, k2, k3 = jax.random.split(key, 4)
    M, B, D = 100000, 16384, 64
    mem = jax.random.normal(k0, (M, D), dtype=jnp.float32)
    idx = jax.random.randint(k1, (B,), 0, M).astype(jnp.int64)
    val = jax.random.normal(k2, (B, D), dtype=jnp.float32)
    read_idx = jax.random.randint(k3, (B,), 0, M).astype(jnp.int64)
    return {"mem": mem, "idx": idx, "val": val, "read_idx": read_idx}


def reference(mem, idx, val, read_idx):
    # project stored bank (tangent space) and new values into Poincare disk
    mem_h = tangent_to_poincare(mem)
    h = tangent_to_poincare(val)
    # scatter-overwrite: store new hyperbolic memories at idx
    new_mem = mem_h.at[idx].set(h)
    # gather: retrieve memories at read_idx after the write
    read = jnp.take(new_mem, read_idx, axis=0)
    # Busemann-style score: hyperbolic distance + boundary-proximity penalty
    q = h
    dist = poincare_distance(q, read)
    mem_norm = jnp.linalg.norm(read, axis=-1)
    decay = 1.0 - mem_norm  # drift-toward-boundary proxy for decay score
    busemann = dist + mem_norm * (1.0 - decay)
    out = read * jax.nn.sigmoid(-busemann)[:, None]
    return out

if __name__ == "__main__":
    import jax
    _d = setup_inputs()
    print(jax.jit(kernel)(*tuple(_d.values())))

</pallas_src>

<mosaic_0001>
#map = affine_map<(d0, d1) -> (0)>
#map1 = affine_map<(d0, d1) -> (0, 0)>
module attributes {stable_mosaic.version = 14 : i64} {
  func.func @_gather_rows(%arg0: i32, %arg1: i32, %arg2: memref<100352xi32, #tpu.memory_space<hbm>>, %arg3: memref<16384x64xf32, #tpu.memory_space<hbm>>, %arg4: memref<16384xi32, #tpu.memory_space<hbm>>, %arg5: memref<16384xi32, #tpu.memory_space<hbm>>, %arg6: memref<16384x64xf32, #tpu.memory_space<hbm>>, %arg7: memref<100352xi32, #tpu.memory_space<vmem>>, %arg8: memref<512xi32, #tpu.memory_space<vmem>>, %arg9: memref<512xi32, #tpu.memory_space<vmem>>, %arg10: memref<512xi32, #tpu.memory_space<vmem>>, %arg11: memref<2x128x64xf32, #tpu.memory_space<vmem>>, %arg12: memref<!tpu.dma_semaphore, #tpu.memory_space<semaphore_mem>>, %arg13: memref<!tpu.dma_semaphore, #tpu.memory_space<semaphore_mem>>) attributes {dimension_semantics = [#tpu.dimension_semantics<core_parallel>, #tpu.dimension_semantics<subcore_parallel>], iteration_bounds = array<i64: 2, 16>, scalar_prefetch = 0 : i64, scratch_operands = 7 : i64, tpu.core_type = #tpu.core_type<sc_vector_subcore>, window_params = [{transform_indices = #map}, {transform_indices = #map1}, {transform_indices = #map}, {transform_indices = #map}, {transform_indices = #map1}]} {
    %mul3A = arith.constant 2 : i32
    %mul3A_0 = arith.muli %arg1, %mul3A : i32
    %add3A = arith.addi %mul3A_0, %arg0 : i32
    %mul3A_1 = arith.constant 512 : i32
    %mul3A_2 = arith.muli %add3A, %mul3A_1 : i32
    tpu.enqueue_dma source(%arg2 : memref<100352xi32, #tpu.memory_space<hbm>>) target(%arg7 : memref<100352xi32, #tpu.memory_space<vmem>>) target_semaphore(%arg12 : memref<!tpu.dma_semaphore, #tpu.memory_space<semaphore_mem>>)
    "tpu.region"() ({
      %run_scoped3A_567 = tpu.sem_alloc : memref<!tpu.dma_semaphore, #tpu.memory_space<semaphore_mem>>
      %dma_start3A_568 = tpu.memref_slice %arg4[%mul3A_2] : memref<16384xi32, #tpu.memory_space<hbm>> -> memref<512xi32, #tpu.memory_space<hbm>>
      %dma_start3A_569 = tpu.memref_slice %arg4[%mul3A_2] : memref<16384xi32, #tpu.memory_space<hbm>> -> memref<512xi32, #tpu.memory_space<hbm>>
      tpu.enqueue_dma source(%dma_start3A_569 : memref<512xi32, #tpu.memory_space<hbm>>) target(%arg8 : memref<512xi32, #tpu.memory_space<vmem>>) target_semaphore(%run_scoped3A_567 : memref<!tpu.dma_semaphore, #tpu.memory_space<semaphore_mem>>)
      %dma_wait3A_570 = tpu.memref_slice %arg4[%mul3A_2] : memref<16384xi32, #tpu.memory_space<hbm>> -> memref<512xi32, #tpu.memory_space<hbm>>
      %dma_wait3A_571 = tpu.memref_slice %arg4[%mul3A_2] : memref<16384xi32, #tpu.memory_space<hbm>> -> memref<512xi32, #tpu.memory_space<hbm>>
      tpu.wait_dma2 semaphore(%run_scoped3A_567 : memref<!tpu.dma_semaphore, #tpu.memory_space<semaphore_mem>>) src(%dma_wait3A_571 : memref<512xi32, #tpu.memory_space<hbm>>) dst(%arg8 : memref<512xi32, #tpu.memory_space<vmem>>)
      tpu.yield
    }) : () -> ()
    tpu.wait_dma2 semaphore(%arg12 : memref<!tpu.dma_semaphore, #tpu.memory_space<semaphore_mem>>) src(%arg2 : memref<100352xi32, #tpu.memory_space<hbm>>) dst(%arg7 : memref<100352xi32, #tpu.memory_space<vmem>>)
    %iota3A = tpu.iota {dimensions = array<i32: 0>} : vector<16xi32>
    %get3A = arith.constant 0 : index
    %get3A_3 = tpu.vector_load %arg8[%get3A] {strides = array<i32>} : memref<512xi32, #tpu.memory_space<vmem>>, vector<16xi32>,
    %gather3A = tpu.vector_load_idx %arg7[%get3A_3] : memref<100352xi32, #tpu.memory_space<vmem>>[vector<16xi32>], vector<16xi32>,
    %swap3A = arith.constant 0 : index
    %swap3A_4 = tpu.vector_load %arg9[%swap3A] {strides = array<i32>} : memref<512xi32, #tpu.memory_space<vmem>>, vector<16xi32>,
    tpu.vector_store %arg9[%swap3A], %gather3A {strides = array<i32>} : memref<512xi32, #tpu.memory_space<vmem>>, vector<16xi32>,
    %add3A_5 = arith.constant 0 : i32
    %add3A_6 = arith.addi %mul3A_2, %add3A_5 : i32
    %add3A_7 = vector.broadcast %add3A_6 : i32 to vector<16xi32>
    %add3A_8 = arith.addi %iota3A, %add3A_7 : vector<16xi32>
    %ge3A = arith.constant 0 : i32
    %ge3A_9 = vector.broadcast %ge3A : i32 to vector<16xi32>
    %ge3A_10 = arith.cmpi sge, %gather3A, %ge3A_9 : vector<16xi32>
    %select_n3A = arith.select %ge3A_10, %gather3A, %add3A_8 : vector<16xi1>, vector<16xi32>
    %swap3A_11 = arith.constant 0 : index
    %swap3A_12 = tpu.vector_load %arg10[%swap3A_11] {strides = array<i32>} : memref<512xi32, #tpu.memory_space<vmem>>, vector<16xi32>,
    tpu.vector_store %arg10[%swap3A_11], %select_n3A {strides = array<i32>} : memref<512xi32, #tpu.memory_space<vmem>>, vector<16xi32>,
    %get3A_13 = arith.constant 16 : index
    %get3A_14 = tpu.vector_load %arg8[%get3A_13] {strides = array<i32>} : memref<512xi32, #tpu.memory_space<vmem>>, vector<16xi32>,
    %gather3A_15 = tpu.vector_load_idx %arg7[%get3A_14] : memref<100352xi32, #tpu.memory_space<vmem>>[vector<16xi32>], vector<16xi32>,
    %swap3A_16 = arith.constant 16 : index
    %swap3A_17 = tpu.vector_load %arg9[%swap3A_16] {strides = array<i32>} : memref<512xi32, #tpu.memory_space<vmem>>, vector<16xi32>,
    tpu.vector_store %arg9[%swap3A_16], %gather3A_15 {strides = array<i32>} : memref<512xi32, #tpu.memory_space<vmem>>, vector<16xi32>,
    %add3A_18 = arith.constant 16 : i32
    %add3A_19 = arith.addi %mul3A_2, %add3A_18 : i32
    %add3A_20 = vector.broadcast %add3A_19 : i32 to vector<16xi32>
    %add3A_21 = arith.addi %iota3A, %add3A_20 : vector<16xi32>
    %ge3A_22 = arith.constant 0 : i32
    %ge3A_23 = vector.broadcast %ge3A_22 : i32 to vector<16xi32>
    %ge3A_24 = arith.cmpi sge, %gather3A_15, %ge3A_23 : vector<16xi32>
    %select_n3A_25 = arith.select %ge3A_24, %gather3A_15, %add3A_21 : vector<16xi1>, vector<16xi32>
    %swap3A_26 = arith.constant 16 : index
    %swap3A_27 = tpu.vector_load %arg10[%swap3A_26] {strides = array<i32>} : memref<512xi32, #tpu.memory_space<vmem>>, vector<16xi32>,
    tpu.vector_store %arg10[%swap3A_26], %select_n3A_25 {strides = array<i32>} : memref<512xi32, #tpu.memory_space<vmem>>, vector<16xi32>,
    %get3A_28 = arith.constant 32 : index
    %get3A_29 = tpu.vector_load %arg8[%get3A_28] {strides = array<i32>} : memref<512xi32, #tpu.memory_space<vmem>>, vector<16xi32>,
    %gather3A_30 = tpu.vector_load_idx %arg7[%get3A_29] : memref<100352xi32, #tpu.memory_space<vmem>>[vector<16xi32>], vector<16xi32>,
    %swap3A_31 = arith.constant 32 : index
    %swap3A_32 = tpu.vector_load %arg9[%swap3A_31] {strides = array<i32>} : memref<512xi32, #tpu.memory_space<vmem>>, vector<16xi32>,
    tpu.vector_store %arg9[%swap3A_31], %gather3A_30 {strides = array<i32>} : memref<512xi32, #tpu.memory_space<vmem>>, vector<16xi32>,
    %add3A_33 = arith.constant 32 : i32
    %add3A_34 = arith.addi %mul3A_2, %add3A_33 : i32
    %add3A_35 = vector.broadcast %add3A_34 : i32 to vector<16xi32>
    %add3A_36 = arith.addi %iota3A, %add3A_35 : vector<16xi32>
    %ge3A_37 = arith.constant 0 : i32
    %ge3A_38 = vector.broadcast %ge3A_37 : i32 to vector<16xi32>
    %ge3A_39 = arith.cmpi sge, %gather3A_30, %ge3A_38 : vector<16xi32>
    %select_n3A_40 = arith.select %ge3A_39, %gather3A_30, %add3A_36 : vector<16xi1>, vector<16xi32>
    %swap3A_41 = arith.constant 32 : index
    %swap3A_42 = tpu.vector_load %arg10[%swap3A_41] {strides = array<i32>} : memref<512xi32, #tpu.memory_space<vmem>>, vector<16xi32>,
    tpu.vector_store %arg10[%swap3A_41], %select_n3A_40 {strides = array<i32>} : memref<512xi32, #tpu.memory_space<vmem>>, vector<16xi32>,
    %get3A_43 = arith.constant 48 : index
    %get3A_44 = tpu.vector_load %arg8[%get3A_43] {strides = array<i32>} : memref<512xi32, #tpu.memory_space<vmem>>, vector<16xi32>,
    %gather3A_45 = tpu.vector_load_idx %arg7[%get3A_44] : memref<100352xi32, #tpu.memory_space<vmem>>[vector<16xi32>], vector<16xi32>,
    %swap3A_46 = arith.constant 48 : index
    %swap3A_47 = tpu.vector_load %arg9[%swap3A_46] {strides = array<i32>} : memref<512xi32, #tpu.memory_space<vmem>>, vector<16xi32>,
    tpu.vector_store %arg9[%swap3A_46], %gather3A_45 {strides = array<i32>} : memref<512xi32, #tpu.memory_space<vmem>>, vector<16xi32>,
    %add3A_48 = arith.constant 48 : i32
    %add3A_49 = arith.addi %mul3A_2, %add3A_48 : i32
    %add3A_50 = vector.broadcast %add3A_49 : i32 to vector<16xi32>
    %add3A_51 = arith.addi %iota3A, %add3A_50 : vector<16xi32>
    %ge3A_52 = arith.constant 0 : i32
    %ge3A_53 = vector.broadcast %ge3A_52 : i32 to vector<16xi32>
    %ge3A_54 = arith.cmpi sge, %gather3A_45, %ge3A_53 : vector<16xi32>
    %select_n3A_55 = arith.select %ge3A_54, %gather3A_45, %add3A_51 : vector<16xi1>, vector<16xi32>
    %swap3A_56 = arith.constant 48 : index
    %swap3A_57 = tpu.vector_load %arg10[%swap3A_56] {strides = array<i32>} : memref<512xi32, #tpu.memory_space<vmem>>, vector<16xi32>,
    tpu.vector_store %arg10[%swap3A_56], %select_n3A_55 {strides = array<i32>} : memref<512xi32, #tpu.memory_space<vmem>>, vector<16xi32>,
    %get3A_58 = arith.constant 64 : index
    %get3A_59 = tpu.vector_load %arg8[%get3A_58] {strides = array<i32>} : memref<512xi32, #tpu.memory_space<vmem>>, vector<16xi32>,
    %gather3A_60 = tpu.vector_load_idx %arg7[%get3A_59] : memref<100352xi32, #tpu.memory_space<vmem>>[vector<16xi32>], vector<16xi32>,
    %swap3A_61 = arith.constant 64 : index
    %swap3A_62 = tpu.vector_load %arg9[%swap3A_61] {strides = array<i32>} : memref<512xi32, #tpu.memory_space<vmem>>, vector<16xi32>,
    tpu.vector_store %arg9[%swap3A_61], %gather3A_60 {strides = array<i32>} : memref<512xi32, #tpu.memory_space<vmem>>, vector<16xi32>,
    %add3A_63 = arith.constant 64 : i32
    %add3A_64 = arith.addi %mul3A_2, %add3A_63 : i32
    %add3A_65 = vector.broadcast %add3A_64 : i32 to vector<16xi32>
    %add3A_66 = arith.addi %iota3A, %add3A_65 : vector<16xi32>
    %ge3A_67 = arith.constant 0 : i32
    %ge3A_68 = vector.broadcast %ge3A_67 : i32 to vector<16xi32>
    %ge3A_69 = arith.cmpi sge, %gather3A_60, %ge3A_68 : vector<16xi32>
    %select_n3A_70 = arith.select %ge3A_69, %gather3A_60, %add3A_66 : vector<16xi1>, vector<16xi32>
    %swap3A_71 = arith.constant 64 : index
    %swap3A_72 = tpu.vector_load %arg10[%swap3A_71] {strides = array<i32>} : memref<512xi32, #tpu.memory_space<vmem>>, vector<16xi32>,
    tpu.vector_store %arg10[%swap3A_71], %select_n3A_70 {strides = array<i32>} : memref<512xi32, #tpu.memory_space<vmem>>, vector<16xi32>,
    %get3A_73 = arith.constant 80 : index
    %get3A_74 = tpu.vector_load %arg8[%get3A_73] {strides = array<i32>} : memref<512xi32, #tpu.memory_space<vmem>>, vector<16xi32>,
    %gather3A_75 = tpu.vector_load_idx %arg7[%get3A_74] : memref<100352xi32, #tpu.memory_space<vmem>>[vector<16xi32>], vector<16xi32>,
    %swap3A_76 = arith.constant 80 : index
    %swap3A_77 = tpu.vector_load %arg9[%swap3A_76] {strides = array<i32>} : memref<512xi32, #tpu.memory_space<vmem>>, vector<16xi32>,
    tpu.vector_store %arg9[%swap3A_76], %gather3A_75 {strides = array<i32>} : memref<512xi32, #tpu.memory_space<vmem>>, vector<16xi32>,
    %add3A_78 = arith.constant 80 : i32
    %add3A_79 = arith.addi %mul3A_2, %add3A_78 : i32
    %add3A_80 = vector.broadcast %add3A_79 : i32 to vector<16xi32>
    %add3A_81 = arith.addi %iota3A, %add3A_80 : vector<16xi32>
    %ge3A_82 = arith.constant 0 : i32
    %ge3A_83 = vector.broadcast %ge3A_82 : i32 to vector<16xi32>
    %ge3A_84 = arith.cmpi sge, %gather3A_75, %ge3A_83 : vector<16xi32>
    %select_n3A_85 = arith.select %ge3A_84, %gather3A_75, %add3A_81 : vector<16xi1>, vector<16xi32>
    %swap3A_86 = arith.constant 80 : index
    %swap3A_87 = tpu.vector_load %arg10[%swap3A_86] {strides = array<i32>} : memref<512xi32, #tpu.memory_space<vmem>>, vector<16xi32>,
    tpu.vector_store %arg10[%swap3A_86], %select_n3A_85 {strides = array<i32>} : memref<512xi32, #tpu.memory_space<vmem>>, vector<16xi32>,
    %get3A_88 = arith.constant 96 : index
    %get3A_89 = tpu.vector_load %arg8[%get3A_88] {strides = array<i32>} : memref<512xi32, #tpu.memory_space<vmem>>, vector<16xi32>,
    %gather3A_90 = tpu.vector_load_idx %arg7[%get3A_89] : memref<100352xi32, #tpu.memory_space<vmem>>[vector<16xi32>], vector<16xi32>,
    %swap3A_91 = arith.constant 96 : index
    %swap3A_92 = tpu.vector_load %arg9[%swap3A_91] {strides = array<i32>} : memref<512xi32, #tpu.memory_space<vmem>>, vector<16xi32>,
    tpu.vector_store %arg9[%swap3A_91], %gather3A_90 {strides = array<i32>} : memref<512xi32, #tpu.memory_space<vmem>>, vector<16xi32>,
    %add3A_93 = arith.constant 96 : i32
    %add3A_94 = arith.addi %mul3A_2, %add3A_93 : i32
    %add3A_95 = vector.broadcast %add3A_94 : i32 to vector<16xi32>
    %add3A_96 = arith.addi %iota3A, %add3A_95 : vector<16xi32>
    %ge3A_97 = arith.constant 0 : i32
    %ge3A_98 = vector.broadcast %ge3A_97 : i32 to vector<16xi32>
    %ge3A_99 = arith.cmpi sge, %gather3A_90, %ge3A_98 : vector<16xi32>
    %select_n3A_100 = arith.select %ge3A_99, %gather3A_90, %add3A_96 : vector<16xi1>, vector<16xi32>
    %swap3A_101 = arith.constant 96 : index
    %swap3A_102 = tpu.vector_load %arg10[%swap3A_101] {strides = array<i32>} : memref<512xi32, #tpu.memory_space<vmem>>, vector<16xi32>,
    tpu.vector_store %arg10[%swap3A_101], %select_n3A_100 {strides = array<i32>} : memref<512xi32, #tpu.memory_space<vmem>>, vector<16xi32>,
    %get3A_103 = arith.constant 112 : index
    %get3A_104 = tpu.vector_load %arg8[%get3A_103] {strides = array<i32>} : memref<512xi32, #tpu.memory_space<vmem>>, vector<16xi32>,
    %gather3A_105 = tpu.vector_load_idx %arg7[%get3A_104] : memref<100352xi32, #tpu.memory_space<vmem>>[vector<16xi32>], vector<16xi32>,
    %swap3A_106 = arith.constant 112 : index
    %swap3A_107 = tpu.vector_load %arg9[%swap3A_106] {strides = array<i32>} : memref<512xi32, #tpu.memory_space<vmem>>, vector<16xi32>,
    tpu.vector_store %arg9[%swap3A_106], %gather3A_105 {strides = array<i32>} : memref<512xi32, #tpu.memory_space<vmem>>, vector<16xi32>,
    %add3A_108 = arith.constant 112 : i32
    %add3A_109 = arith.addi %mul3A_2, %add3A_108 : i32
    %add3A_110 = vector.broadcast %add3A_109 : i32 to vector<16xi32>
    %add3A_111 = arith.addi %iota3A, %add3A_110 : vector<16xi32>
    %ge3A_112 = arith.constant 0 : i32
    %ge3A_113 = vector.broadcast %ge3A_112 : i32 to vector<16xi32>
    %ge3A_114 = arith.cmpi sge, %gather3A_105, %ge3A_113 : vector<16xi32>
    %select_n3A_115 = arith.select %ge3A_114, %gather3A_105, %add3A_111 : vector<16xi1>, vector<16xi32>
    %swap3A_116 = arith.constant 112 : index
    %swap3A_117 = tpu.vector_load %arg10[%swap3A_116] {strides = array<i32>} : memref<512xi32, #tpu.memory_space<vmem>>, vector<16xi32>,
    tpu.vector_store %arg10[%swap3A_116], %select_n3A_115 {strides = array<i32>} : memref<512xi32, #tpu.memory_space<vmem>>, vector<16xi32>,
    %get3A_118 = arith.constant 128 : index
    %get3A_119 = tpu.vector_load %arg8[%get3A_118] {strides = array<i32>} : memref<512xi32, #tpu.memory_space<vmem>>, vector<16xi32>,
    %gather3A_120 = tpu.vector_load_idx %arg7[%get3A_119] : memref<100352xi32, #tpu.memory_space<vmem>>[vector<16xi32>], vector<16xi32>,
    %swap3A_121 = arith.constant 128 : index
    %swap3A_122 = tpu.vector_load %arg9[%swap3A_121] {strides = array<i32>} : memref<512xi32, #tpu.memory_space<vmem>>, vector<16xi32>,
    tpu.vector_store %arg9[%swap3A_121], %gather3A_120 {strides = array<i32>} : memref<512xi32, #tpu.memory_space<vmem>>, vector<16xi32>,
    %add3A_123 = arith.constant 128 : i32
    %add3A_124 = arith.addi %mul3A_2, %add3A_123 : i32
    %add3A_125 = vector.broadcast %add3A_124 : i32 to vector<16xi32>
    %add3A_126 = arith.addi %iota3A, %add3A_125 : vector<16xi32>
    %ge3A_127 = arith.constant 0 : i32
    %ge3A_128 = vector.broadcast %ge3A_127 : i32 to vector<16xi32>
    %ge3A_129 = arith.cmpi sge, %gather3A_120, %ge3A_128 : vector<16xi32>
    %select_n3A_130 = arith.select %ge3A_129, %gather3A_120, %add3A_126 : vector<16xi1>, vector<16xi32>
    %swap3A_131 = arith.constant 128 : index
    %swap3A_132 = tpu.vector_load %arg10[%swap3A_131] {strides = array<i32>} : memref<512xi32, #tpu.memory_space<vmem>>, vector<16xi32>,
    tpu.vector_store %arg10[%swap3A_131], %select_n3A_130 {strides = array<i32>} : memref<512xi32, #tpu.memory_space<vmem>>, vector<16xi32>,
    %get3A_133 = arith.constant 144 : index
    %get3A_134 = tpu.vector_load %arg8[%get3A_133] {strides = array<i32>} : memref<512xi32, #tpu.memory_space<vmem>>, vector<16xi32>,
    %gather3A_135 = tpu.vector_load_idx %arg7[%get3A_134] : memref<100352xi32, #tpu.memory_space<vmem>>[vector<16xi32>], vector<16xi32>,
    %swap3A_136 = arith.constant 144 : index
    %swap3A_137 = tpu.vector_load %arg9[%swap3A_136] {strides = array<i32>} : memref<512xi32, #tpu.memory_space<vmem>>, vector<16xi32>,
    tpu.vector_store %arg9[%swap3A_136], %gather3A_135 {strides = array<i32>} : memref<512xi32, #tpu.memory_space<vmem>>, vector<16xi32>,
    %add3A_138 = arith.constant 144 : i32
    %add3A_139 = arith.addi %mul3A_2, %add3A_138 : i32
    %add3A_140 = vector.broadcast %add3A_139 : i32 to vector<16xi32>
    %add3A_141 = arith.addi %iota3A, %add3A_140 : vector<16xi32>
    %ge3A_142 = arith.constant 0 : i32
    %ge3A_143 = vector.broadcast %ge3A_142 : i32 to vector<16xi32>
    %ge3A_144 = arith.cmpi sge, %gather3A_135, %ge3A_143 : vector<16xi32>
    %select_n3A_145 = arith.select %ge3A_144, %gather3A_135, %add3A_141 : vector<16xi1>, vector<16xi32>
    %swap3A_146 = arith.constant 144 : index
    %swap3A_147 = tpu.vector_load %arg10[%swap3A_146] {strides = array<i32>} : memref<512xi32, #tpu.memory_space<vmem>>, vector<16xi32>,
    tpu.vector_store %arg10[%swap3A_146], %select_n3A_145 {strides = array<i32>} : memref<512xi32, #tpu.memory_space<vmem>>, vector<16xi32>,
    %get3A_148 = arith.constant 160 : index
    %get3A_149 = tpu.vector_load %arg8[%get3A_148] {strides = array<i32>} : memref<512xi32, #tpu.memory_space<vmem>>, vector<16xi32>,
    %gather3A_150 = tpu.vector_load_idx %arg7[%get3A_149] : memref<100352xi32, #tpu.memory_space<vmem>>[vector<16xi32>], vector<16xi32>,
    %swap3A_151 = arith.constant 160 : index
    %swap3A_152 = tpu.vector_load %arg9[%swap3A_151] {strides = array<i32>} : memref<512xi32, #tpu.memory_space<vmem>>, vector<16xi32>,
    tpu.vector_store %arg9[%swap3A_151], %gather3A_150 {strides = array<i32>} : memref<512xi32, #tpu.memory_space<vmem>>, vector<16xi32>,
    %add3A_153 = arith.constant 160 : i32
    %add3A_154 = arith.addi %mul3A_2, %add3A_153 : i32
    %add3A_155 = vector.broadcast %add3A_154 : i32 to vector<16xi32>
    %add3A_156 = arith.addi %iota3A, %add3A_155 : vector<16xi32>
    %ge3A_157 = arith.constant 0 : i32
    %ge3A_158 = vector.broadcast %ge3A_157 : i32 to vector<16xi32>
    %ge3A_159 = arith.cmpi sge, %gather3A_150, %ge3A_158 : vector<16xi32>
    %select_n3A_160 = arith.select %ge3A_159, %gather3A_150, %add3A_156 : vector<16xi1>, vector<16xi32>
    %swap3A_161 = arith.constant 160 : index
    %swap3A_162 = tpu.vector_load %arg10[%swap3A_161] {strides = array<i32>} : memref<512xi32, #tpu.memory_space<vmem>>, vector<16xi32>,
    tpu.vector_store %arg10[%swap3A_161], %select_n3A_160 {strides = array<i32>} : memref<512xi32, #tpu.memory_space<vmem>>, vector<16xi32>,
    %get3A_163 = arith.constant 176 : index
    %get3A_164 = tpu.vector_load %arg8[%get3A_163] {strides = array<i32>} : memref<512xi32, #tpu.memory_space<vmem>>, vector<16xi32>,
    %gather3A_165 = tpu.vector_load_idx %arg7[%get3A_164] : memref<100352xi32, #tpu.memory_space<vmem>>[vector<16xi32>], vector<16xi32>,
    %swap3A_166 = arith.constant 176 : index
    %swap3A_167 = tpu.vector_load %arg9[%swap3A_166] {strides = array<i32>} : memref<512xi32, #tpu.memory_space<vmem>>, vector<16xi32>,
    tpu.vector_store %arg9[%swap3A_166], %gather3A_165 {strides = array<i32>} : memref<512xi32, #tpu.memory_space<vmem>>, vector<16xi32>,
    %add3A_168 = arith.constant 176 : i32
    %add3A_169 = arith.addi %mul3A_2, %add3A_168 : i32
    %add3A_170 = vector.broadcast %add3A_169 : i32 to vector<16xi32>
    %add3A_171 = arith.addi %iota3A, %add3A_170 : vector<16xi32>
    %ge3A_172 = arith.constant 0 : i32
    %ge3A_173 = vector.broadcast %ge3A_172 : i32 to vector<16xi32>
    %ge3A_174 = arith.cmpi sge, %gather3A_165, %ge3A_173 : vector<16xi32>
    %select_n3A_175 = arith.select %ge3A_174, %gather3A_165, %add3A_171 : vector<16xi1>, vector<16xi32>
    %swap3A_176 = arith.constant 176 : index
    %swap3A_177 = tpu.vector_load %arg10[%swap3A_176] {strides = array<i32>} : memref<512xi32, #tpu.memory_space<vmem>>, vector<16xi32>,
    tpu.vector_store %arg10[%swap3A_176], %select_n3A_175 {strides = array<i32>} : memref<512xi32, #tpu.memory_space<vmem>>, vector<16xi32>,
    %get3A_178 = arith.constant 192 : index
    %get3A_179 = tpu.vector_load %arg8[%get3A_178] {strides = array<i32>} : memref<512xi32, #tpu.memory_space<vmem>>, vector<16xi32>,
    %gather3A_180 = tpu.vector_load_idx %arg7[%get3A_179] : memref<100352xi32, #tpu.memory_space<vmem>>[vector<16xi32>], vector<16xi32>,
    %swap3A_181 = arith.constant 192 : index
    %swap3A_182 = tpu.vector_load %arg9[%swap3A_181] {strides = array<i32>} : memref<512xi32, #tpu.memory_space<vmem>>, vector<16xi32>,
    tpu.vector_store %arg9[%swap3A_181], %gather3A_180 {strides = array<i32>} : memref<512xi32, #tpu.memory_space<vmem>>, vector<16xi32>,
    %add3A_183 = arith.constant 192 : i32
    %add3A_184 = arith.addi %mul3A_2, %add3A_183 : i32
    %add3A_185 = vector.broadcast %add3A_184 : i32 to vector<16xi32>
    %add3A_186 = arith.addi %iota3A, %add3A_185 : vector<16xi32>
    %ge3A_187 = arith.constant 0 : i32
    %ge3A_188 = vector.broadcast %ge3A_187 : i32 to vector<16xi32>
    %ge3A_189 = arith.cmpi sge, %gather3A_180, %ge3A_188 : vector<16xi32>
    %select_n3A_190 = arith.select %ge3A_189, %gather3A_180, %add3A_186 : vector<16xi1>, vector<16xi32>
    %swap3A_191 = arith.constant 192 : index
    %swap3A_192 = tpu.vector_load %arg10[%swap3A_191] {strides = array<i32>} : memref<512xi32, #tpu.memory_space<vmem>>, vector<16xi32>,
    tpu.vector_store %arg10[%swap3A_191], %select_n3A_190 {strides = array<i32>} : memref<512xi32, #tpu.memory_space<vmem>>, vector<16xi32>,
    %get3A_193 = arith.constant 208 : index
    %get3A_194 = tpu.vector_load %arg8[%get3A_193] {strides = array<i32>} : memref<512xi32, #tpu.memory_space<vmem>>, vector<16xi32>,
    %gather3A_195 = tpu.vector_load_idx %arg7[%get3A_194] : memref<100352xi32, #tpu.memory_space<vmem>>[vector<16xi32>], vector<16xi32>,
    %swap3A_196 = arith.constant 208 : index
    %swap3A_197 = tpu.vector_load %arg9[%swap3A_196] {strides = array<i32>} : memref<512xi32, #tpu.memory_space<vmem>>, vector<16xi32>,
    tpu.vector_store %arg9[%swap3A_196], %gather3A_195 {strides = array<i32>} : memref<512xi32, #tpu.memory_space<vmem>>, vector<16xi32>,
    %add3A_198 = arith.constant 208 : i32
    %add3A_199 = arith.addi %mul3A_2, %add3A_198 : i32
    %add3A_200 = vector.broadcast %add3A_199 : i32 to vector<16xi32>
    %add3A_201 = arith.addi %iota3A, %add3A_200 : vector<16xi32>
    %ge3A_202 = arith.constant 0 : i32
    %ge3A_203 = vector.broadcast %ge3A_202 : i32 to vector<16xi32>
    %ge3A_204 = arith.cmpi sge, %gather3A_195, %ge3A_203 : vector<16xi32>
    %select_n3A_205 = arith.select %ge3A_204, %gather3A_195, %add3A_201 : vector<16xi1>, vector<16xi32>
    %swap3A_206 = arith.constant 208 : index
    %swap3A_207 = tpu.vector_load %arg10[%swap3A_206] {strides = array<i32>} : memref<512xi32, #tpu.memory_space<vmem>>, vector<16xi32>,
    tpu.vector_store %arg10[%swap3A_206], %select_n3A_205 {strides = array<i32>} : memref<512xi32, #tpu.memory_space<vmem>>, vector<16xi32>,
    %get3A_208 = arith.constant 224 : index
    %get3A_209 = tpu.vector_load %arg8[%get3A_208] {strides = array<i32>} : memref<512xi32, #tpu.memory_space<vmem>>, vector<16xi32>,
    %gather3A_210 = tpu.vector_load_idx %arg7[%get3A_209] : memref<100352xi32, #tpu.memory_space<vmem>>[vector<16xi32>], vector<16xi32>,
    %swap3A_211 = arith.constant 224 : index
    %swap3A_212 = tpu.vector_load %arg9[%swap3A_211] {strides = array<i32>} : memref<512xi32, #tpu.memory_space<vmem>>, vector<16xi32>,
    tpu.vector_store %arg9[%swap3A_211], %gather3A_210 {strides = array<i32>} : memref<512xi32, #tpu.memory_space<vmem>>, vector<16xi32>,
    %add3A_213 = arith.constant 224 : i32
    %add3A_214 = arith.addi %mul3A_2, %add3A_213 : i32
    %add3A_215 = vector.broadcast %add3A_214 : i32 to vector<16xi32>
    %add3A_216 = arith.addi %iota3A, %add3A_215 : vector<16xi32>
    %ge3A_217 = arith.constant 0 : i32
    %ge3A_218 = vector.broadcast %ge3A_217 : i32 to vector<16xi32>
    %ge3A_219 = arith.cmpi sge, %gather3A_210, %ge3A_218 : vector<16xi32>
    %select_n3A_220 = arith.select %ge3A_219, %gather3A_210, %add3A_216 : vector<16xi1>, vector<16xi32>
    %swap3A_221 = arith.constant 224 : index
    %swap3A_222 = tpu.vector_load %arg10[%swap3A_221] {strides = array<i32>} : memref<512xi32, #tpu.memory_space<vmem>>, vector<16xi32>,
    tpu.vector_store %arg10[%swap3A_221], %select_n3A_220 {strides = array<i32>} : memref<512xi32, #tpu.memory_space<vmem>>, vector<16xi32>,
    %get3A_223 = arith.constant 240 : index
    %get3A_224 = tpu.vector_load %arg8[%get3A_223] {strides = array<i32>} : memref<512xi32, #tpu.memory_space<vmem>>, vector<16xi32>,
    %gather3A_225 = tpu.vector_load_idx %arg7[%get3A_224] : memref<100352xi32, #tpu.memory_space<vmem>>[vector<16xi32>], vector<16xi32>,
    %swap3A_226 = arith.constant 240 : index
    %swap3A_227 = tpu.vector_load %arg9[%swap3A_226] {strides = array<i32>} : memref<512xi32, #tpu.memory_space<vmem>>, vector<16xi32>,
    tpu.vector_store %arg9[%swap3A_226], %gather3A_225 {strides = array<i32>} : memref<512xi32, #tpu.memory_space<vmem>>, vector<16xi32>,
    %add3A_228 = arith.constant 240 : i32
    %add3A_229 = arith.addi %mul3A_2, %add3A_228 : i32
    %add3A_230 = vector.broadcast %add3A_229 : i32 to vector<16xi32>
    %add3A_231 = arith.addi %iota3A, %add3A_230 : vector<16xi32>
    %ge3A_232 = arith.constant 0 : i32
    %ge3A_233 = vector.broadcast %ge3A_232 : i32 to vector<16xi32>
    %ge3A_234 = arith.cmpi sge, %gather3A_225, %ge3A_233 : vector<16xi32>
    %select_n3A_235 = arith.select %ge3A_234, %gather3A_225, %add3A_231 : vector<16xi1>, vector<16xi32>
    %swap3A_236 = arith.constant 240 : index
    %swap3A_237 = tpu.vector_load %arg10[%swap3A_236] {strides = array<i32>} : memref<512xi32, #tpu.memory_space<vmem>>, vector<16xi32>,
    tpu.vector_store %arg10[%swap3A_236], %select_n3A_235 {strides = array<i32>} : memref<512xi32, #tpu.memory_space<vmem>>, vector<16xi32>,
    %get3A_238 = arith.constant 256 : index
    %get3A_239 = tpu.vector_load %arg8[%get3A_238] {strides = array<i32>} : memref<512xi32, #tpu.memory_space<vmem>>, vector<16xi32>,
    %gather3A_240 = tpu.vector_load_idx %arg7[%get3A_239] : memref<100352xi32, #tpu.memory_space<vmem>>[vector<16xi32>], vector<16xi32>,
    %swap3A_241 = arith.constant 256 : index
    %swap3A_242 = tpu.vector_load %arg9[%swap3A_241] {strides = array<i32>} : memref<512xi32, #tpu.memory_space<vmem>>, vector<16xi32>,
    tpu.vector_store %arg9[%swap3A_241], %gather3A_240 {strides = array<i32>} : memref<512xi32, #tpu.memory_space<vmem>>, vector<16xi32>,
    %add3A_243 = arith.constant 256 : i32
    %add3A_244 = arith.addi %mul3A_2, %add3A_243 : i32
    %add3A_245 = vector.broadcast %add3A_244 : i32 to vector<16xi32>
    %add3A_246 = arith.addi %iota3A, %add3A_245 : vector<16xi32>
    %ge3A_247 = arith.constant 0 : i32
    %ge3A_248 = vector.broadcast %ge3A_247 : i32 to vector<16xi32>
    %ge3A_249 = arith.cmpi sge, %gather3A_240, %ge3A_248 : vector<16xi32>
    %select_n3A_250 = arith.select %ge3A_249, %gather3A_240, %add3A_246 : vector<16xi1>, vector<16xi32>
    %swap3A_251 = arith.constant 256 : index
    %swap3A_252 = tpu.vector_load %arg10[%swap3A_251] {strides = array<i32>} : memref<512xi32, #tpu.memory_space<vmem>>, vector<16xi32>,
    tpu.vector_store %arg10[%swap3A_251], %select_n3A_250 {strides = array<i32>} : memref<512xi32, #tpu.memory_space<vmem>>, vector<16xi32>,
    %get3A_253 = arith.constant 272 : index
    %get3A_254 = tpu.vector_load %arg8[%get3A_253] {strides = array<i32>} : memref<512xi32, #tpu.memory_space<vmem>>, vector<16xi32>,
    %gather3A_255 = tpu.vector_load_idx %arg7[%get3A_254] : memref<100352xi32, #tpu.memory_space<vmem>>[vector<16xi32>], vector<16xi32>,
    %swap3A_256 = arith.constant 272 : index
    %swap3A_257 = tpu.vector_load %arg9[%swap3A_256] {strides = array<i32>} : memref<512xi32, #tpu.memory_space<vmem>>, vector<16xi32>,
    tpu.vector_store %arg9[%swap3A_256], %gather3A_255 {strides = array<i32>} : memref<512xi32, #tpu.memory_space<vmem>>, vector<16xi32>,
    %add3A_258 = arith.constant 272 : i32
    %add3A_259 = arith.addi %mul3A_2, %add3A_258 : i32
    %add3A_260 = vector.broadcast %add3A_259 : i32 to vector<16xi32>
    %add3A_261 = arith.addi %iota3A, %add3A_260 : vector<16xi32>
    %ge3A_262 = arith.constant 0 : i32
    %ge3A_263 = vector.broadcast %ge3A_262 : i32 to vector<16xi32>
    %ge3A_264 = arith.cmpi sge, %gather3A_255, %ge3A_263 : vector<16xi32>
    %select_n3A_265 = arith.select %ge3A_264, %gather3A_255, %add3A_261 : vector<16xi1>, vector<16xi32>
    %swap3A_266 = arith.constant 272 : index
    %swap3A_267 = tpu.vector_load %arg10[%swap3A_266] {strides = array<i32>} : memref<512xi32, #tpu.memory_space<vmem>>, vector<16xi32>,
    tpu.vector_store %arg10[%swap3A_266], %select_n3A_265 {strides = array<i32>} : memref<512xi32, #tpu.memory_space<vmem>>, vector<16xi32>,
    %get3A_268 = arith.constant 288 : index
    %get3A_269 = tpu.vector_load %arg8[%get3A_268] {strides = array<i32>} : memref<512xi32, #tpu.memory_space<vmem>>, vector<16xi32>,
    %gather3A_270 = tpu.vector_load_idx %arg7[%get3A_269] : memref<100352xi32, #tpu.memory_space<vmem>>[vector<16xi32>], vector<16xi32>,
    %swap3A_271 = arith.constant 288 : index
    %swap3A_272 = tpu.vector_load %arg9[%swap3A_271] {strides = array<i32>} : memref<512xi32, #tpu.memory_space<vmem>>, vector<16xi32>,
    tpu.vector_store %arg9[%swap3A_271], %gather3A_270 {strides = array<i32>} : memref<512xi32, #tpu.memory_space<vmem>>, vector<16xi32>,
    %add3A_273 = arith.constant 288 : i32
    %add3A_274 = arith.addi %mul3A_2, %add3A_273 : i32
    %add3A_275 = vector.broadcast %add3A_274 : i32 to vector<16xi32>
    %add3A_276 = arith.addi %iota3A, %add3A_275 : vector<16xi32>
    %ge3A_277 = arith.constant 0 : i32
    %ge3A_278 = vector.broadcast %ge3A_277 : i32 to vector<16xi32>
    %ge3A_279 = arith.cmpi sge, %gather3A_270, %ge3A_278 : vector<16xi32>
    %select_n3A_280 = arith.select %ge3A_279, %gather3A_270, %add3A_276 : vector<16xi1>, vector<16xi32>
    %swap3A_281 = arith.constant 288 : index
    %swap3A_282 = tpu.vector_load %arg10[%swap3A_281] {strides = array<i32>} : memref<512xi32, #tpu.memory_space<vmem>>, vector<16xi32>,
    tpu.vector_store %arg10[%swap3A_281], %select_n3A_280 {strides = array<i32>} : memref<512xi32, #tpu.memory_space<vmem>>, vector<16xi32>,
    %get3A_283 = arith.constant 304 : index
    %get3A_284 = tpu.vector_load %arg8[%get3A_283] {strides = array<i32>} : memref<512xi32, #tpu.memory_space<vmem>>, vector<16xi32>,
    %gather3A_285 = tpu.vector_load_idx %arg7[%get3A_284] : memref<100352xi32, #tpu.memory_space<vmem>>[vector<16xi32>], vector<16xi32>,
    %swap3A_286 = arith.constant 304 : index
    %swap3A_287 = tpu.vector_load %arg9[%swap3A_286] {strides = array<i32>} : memref<512xi32, #tpu.memory_space<vmem>>, vector<16xi32>,
    tpu.vector_store %arg9[%swap3A_286], %gather3A_285 {strides = array<i32>} : memref<512xi32, #tpu.memory_space<vmem>>, vector<16xi32>,
    %add3A_288 = arith.constant 304 : i32
    %add3A_289 = arith.addi %mul3A_2, %add3A_288 : i32
    %add3A_290 = vector.broadcast %add3A_289 : i32 to vector<16xi32>
    %add3A_291 = arith.addi %iota3A, %add3A_290 : vector<16xi32>
    %ge3A_292 = arith.constant 0 : i32
    %ge3A_293 = vector.broadcast %ge3A_292 : i32 to vector<16xi32>
    %ge3A_294 = arith.cmpi sge, %gather3A_285, %ge3A_293 : vector<16xi32>
    %select_n3A_295 = arith.select %ge3A_294, %gather3A_285, %add3A_291 : vector<16xi1>, vector<16xi32>
    %swap3A_296 = arith.constant 304 : index
    %swap3A_297 = tpu.vector_load %arg10[%swap3A_296] {strides = array<i32>} : memref<512xi32, #tpu.memory_space<vmem>>, vector<16xi32>,
    tpu.vector_store %arg10[%swap3A_296], %select_n3A_295 {strides = array<i32>} : memref<512xi32, #tpu.memory_space<vmem>>, vector<16xi32>,
    %get3A_298 = arith.constant 320 : index
    %get3A_299 = tpu.vector_load %arg8[%get3A_298] {strides = array<i32>} : memref<512xi32, #tpu.memory_space<vmem>>, vector<16xi32>,
    %gather3A_300 = tpu.vector_load_idx %arg7[%get3A_299] : memref<100352xi32, #tpu.memory_space<vmem>>[vector<16xi32>], vector<16xi32>,
    %swap3A_301 = arith.constant 320 : index
    %swap3A_302 = tpu.vector_load %arg9[%swap3A_301] {strides = array<i32>} : memref<512xi32, #tpu.memory_space<vmem>>, vector<16xi32>,
    tpu.vector_store %arg9[%swap3A_301], %gather3A_300 {strides = array<i32>} : memref<512xi32, #tpu.memory_space<vmem>>, vector<16xi32>,
    %add3A_303 = arith.constant 320 : i32
    %add3A_304 = arith.addi %mul3A_2, %add3A_303 : i32
    %add3A_305 = vector.broadcast %add3A_304 : i32 to vector<16xi32>
    %add3A_306 = arith.addi %iota3A, %add3A_305 : vector<16xi32>
    %ge3A_307 = arith.constant 0 : i32
    %ge3A_308 = vector.broadcast %ge3A_307 : i32 to vector<16xi32>
    %ge3A_309 = arith.cmpi sge, %gather3A_300, %ge3A_308 : vector<16xi32>
    %select_n3A_310 = arith.select %ge3A_309, %gather3A_300, %add3A_306 : vector<16xi1>, vector<16xi32>
    %swap3A_311 = arith.constant 320 : index
    %swap3A_312 = tpu.vector_load %arg10[%swap3A_311] {strides = array<i32>} : memref<512xi32, #tpu.memory_space<vmem>>, vector<16xi32>,
    tpu.vector_store %arg10[%swap3A_311], %select_n3A_310 {strides = array<i32>} : memref<512xi32, #tpu.memory_space<vmem>>, vector<16xi32>,
    %get3A_313 = arith.constant 336 : index
    %get3A_314 = tpu.vector_load %arg8[%get3A_313] {strides = array<i32>} : memref<512xi32, #tpu.memory_space<vmem>>, vector<16xi32>,
    %gather3A_315 = tpu.vector_load_idx %arg7[%get3A_314] : memref<100352xi32, #tpu.memory_space<vmem>>[vector<16xi32>], vector<16xi32>,
    %swap3A_316 = arith.constant 336 : index
    %swap3A_317 = tpu.vector_load %arg9[%swap3A_316] {strides = array<i32>} : memref<512xi32, #tpu.memory_space<vmem>>, vector<16xi32>,
    tpu.vector_store %arg9[%swap3A_316], %gather3A_315 {strides = array<i32>} : memref<512xi32, #tpu.memory_space<vmem>>, vector<16xi32>,
    %add3A_318 = arith.constant 336 : i32
    %add3A_319 = arith.addi %mul3A_2, %add3A_318 : i32
    %add3A_320 = vector.broadcast %add3A_319 : i32 to vector<16xi32>
    %add3A_321 = arith.addi %iota3A, %add3A_320 : vector<16xi32>
    %ge3A_322 = arith.constant 0 : i32
    %ge3A_323 = vector.broadcast %ge3A_322 : i32 to vector<16xi32>
    %ge3A_324 = arith.cmpi sge, %gather3A_315, %ge3A_323 : vector<16xi32>
    %select_n3A_325 = arith.select %ge3A_324, %gather3A_315, %add3A_321 : vector<16xi1>, vector<16xi32>
    %swap3A_326 = arith.constant 336 : index
    %swap3A_327 = tpu.vector_load %arg10[%swap3A_326] {strides = array<i32>} : memref<512xi32, #tpu.memory_space<vmem>>, vector<16xi32>,
    tpu.vector_store %arg10[%swap3A_326], %select_n3A_325 {strides = array<i32>} : memref<512xi32, #tpu.memory_space<vmem>>, vector<16xi32>,
    %get3A_328 = arith.constant 352 : index
    %get3A_329 = tpu.vector_load %arg8[%get3A_328] {strides = array<i32>} : memref<512xi32, #tpu.memory_space<vmem>>, vector<16xi32>,
    %gather3A_330 = tpu.vector_load_idx %arg7[%get3A_329] : memref<100352xi32, #tpu.memory_space<vmem>>[vector<16xi32>], vector<16xi32>,
    %swap3A_331 = arith.constant 352 : index
    %swap3A_332 = tpu.vector_load %arg9[%swap3A_331] {strides = array<i32>} : memref<512xi32, #tpu.memory_space<vmem>>, vector<16xi32>,
    tpu.vector_store %arg9[%swap3A_331], %gather3A_330 {strides = array<i32>} : memref<512xi32, #tpu.memory_space<vmem>>, vector<16xi32>,
    %add3A_333 = arith.constant 352 : i32
    %add3A_334 = arith.addi %mul3A_2, %add3A_333 : i32
    %add3A_335 = vector.broadcast %add3A_334 : i32 to vector<16xi32>
    %add3A_336 = arith.addi %iota3A, %add3A_335 : vector<16xi32>
    %ge3A_337 = arith.constant 0 : i32
    %ge3A_338 = vector.broadcast %ge3A_337 : i32 to vector<16xi32>
    %ge3A_339 = arith.cmpi sge, %gather3A_330, %ge3A_338 : vector<16xi32>
    %select_n3A_340 = arith.select %ge3A_339, %gather3A_330, %add3A_336 : vector<16xi1>, vector<16xi32>
    %swap3A_341 = arith.constant 352 : index
    %swap3A_342 = tpu.vector_load %arg10[%swap3A_341] {strides = array<i32>} : memref<512xi32, #tpu.memory_space<vmem>>, vector<16xi32>,
    tpu.vector_store %arg10[%swap3A_341], %select_n3A_340 {strides = array<i32>} : memref<512xi32, #tpu.memory_space<vmem>>, vector<16xi32>,
    %get3A_343 = arith.constant 368 : index
    %get3A_344 = tpu.vector_load %arg8[%get3A_343] {strides = array<i32>} : memref<512xi32, #tpu.memory_space<vmem>>, vector<16xi32>,
    %gather3A_345 = tpu.vector_load_idx %arg7[%get3A_344] : memref<100352xi32, #tpu.memory_space<vmem>>[vector<16xi32>], vector<16xi32>,
    %swap3A_346 = arith.constant 368 : index
    %swap3A_347 = tpu.vector_load %arg9[%swap3A_346] {strides = array<i32>} : memref<512xi32, #tpu.memory_space<vmem>>, vector<16xi32>,
    tpu.vector_store %arg9[%swap3A_346], %gather3A_345 {strides = array<i32>} : memref<512xi32, #tpu.memory_space<vmem>>, vector<16xi32>,
    %add3A_348 = arith.constant 368 : i32
    %add3A_349 = arith.addi %mul3A_2, %add3A_348 : i32
    %add3A_350 = vector.broadcast %add3A_349 : i32 to vector<16xi32>
    %add3A_351 = arith.addi %iota3A, %add3A_350 : vector<16xi32>
    %ge3A_352 = arith.constant 0 : i32
    %ge3A_353 = vector.broadcast %ge3A_352 : i32 to vector<16xi32>
    %ge3A_354 = arith.cmpi sge, %gather3A_345, %ge3A_353 : vector<16xi32>
    %select_n3A_355 = arith.select %ge3A_354, %gather3A_345, %add3A_351 : vector<16xi1>, vector<16xi32>
    %swap3A_356 = arith.constant 368 : index
    %swap3A_357 = tpu.vector_load %arg10[%swap3A_356] {strides = array<i32>} : memref<512xi32, #tpu.memory_space<vmem>>, vector<16xi32>,
    tpu.vector_store %arg10[%swap3A_356], %select_n3A_355 {strides = array<i32>} : memref<512xi32, #tpu.memory_space<vmem>>, vector<16xi32>,
    %get3A_358 = arith.constant 384 : index
    %get3A_359 = tpu.vector_load %arg8[%get3A_358] {strides = array<i32>} : memref<512xi32, #tpu.memory_space<vmem>>, vector<16xi32>,
    %gather3A_360 = tpu.vector_load_idx %arg7[%get3A_359] : memref<100352xi32, #tpu.memory_space<vmem>>[vector<16xi32>], vector<16xi32>,
    %swap3A_361 = arith.constant 384 : index
    %swap3A_362 = tpu.vector_load %arg9[%swap3A_361] {strides = array<i32>} : memref<512xi32, #tpu.memory_space<vmem>>, vector<16xi32>,
    tpu.vector_store %arg9[%swap3A_361], %gather3A_360 {strides = array<i32>} : memref<512xi32, #tpu.memory_space<vmem>>, vector<16xi32>,
    %add3A_363 = arith.constant 384 : i32
    %add3A_364 = arith.addi %mul3A_2, %add3A_363 : i32
    %add3A_365 = vector.broadcast %add3A_364 : i32 to vector<16xi32>
    %add3A_366 = arith.addi %iota3A, %add3A_365 : vector<16xi32>
    %ge3A_367 = arith.constant 0 : i32
    %ge3A_368 = vector.broadcast %ge3A_367 : i32 to vector<16xi32>
    %ge3A_369 = arith.cmpi sge, %gather3A_360, %ge3A_368 : vector<16xi32>
    %select_n3A_370 = arith.select %ge3A_369, %gather3A_360, %add3A_366 : vector<16xi1>, vector<16xi32>
    %swap3A_371 = arith.constant 384 : index
    %swap3A_372 = tpu.vector_load %arg10[%swap3A_371] {strides = array<i32>} : memref<512xi32, #tpu.memory_space<vmem>>, vector<16xi32>,
    tpu.vector_store %arg10[%swap3A_371], %select_n3A_370 {strides = array<i32>} : memref<512xi32, #tpu.memory_space<vmem>>, vector<16xi32>,
    %get3A_373 = arith.constant 400 : index
    %get3A_374 = tpu.vector_load %arg8[%get3A_373] {strides = array<i32>} : memref<512xi32, #tpu.memory_space<vmem>>, vector<16xi32>,
    %gather3A_375 = tpu.vector_load_idx %arg7[%get3A_374] : memref<100352xi32, #tpu.memory_space<vmem>>[vector<16xi32>], vector<16xi32>,
    %swap3A_376 = arith.constant 400 : index
    %swap3A_377 = tpu.vector_load %arg9[%swap3A_376] {strides = array<i32>} : memref<512xi32, #tpu.memory_space<vmem>>, vector<16xi32>,
    tpu.vector_store %arg9[%swap3A_376], %gather3A_375 {strides = array<i32>} : memref<512xi32, #tpu.memory_space<vmem>>, vector<16xi32>,
    %add3A_378 = arith.constant 400 : i32
    %add3A_379 = arith.addi %mul3A_2, %add3A_378 : i32
    %add3A_380 = vector.broadcast %add3A_379 : i32 to vector<16xi32>
    %add3A_381 = arith.addi %iota3A, %add3A_380 : vector<16xi32>
    %ge3A_382 = arith.constant 0 : i32
    %ge3A_383 = vector.broadcast %ge3A_382 : i32 to vector<16xi32>
    %ge3A_384 = arith.cmpi sge, %gather3A_375, %ge3A_383 : vector<16xi32>
    %select_n3A_385 = arith.select %ge3A_384, %gather3A_375, %add3A_381 : vector<16xi1>, vector<16xi32>
    %swap3A_386 = arith.constant 400 : index
    %swap3A_387 = tpu.vector_load %arg10[%swap3A_386] {strides = array<i32>} : memref<512xi32, #tpu.memory_space<vmem>>, vector<16xi32>,
    tpu.vector_store %arg10[%swap3A_386], %select_n3A_385 {strides = array<i32>} : memref<512xi32, #tpu.memory_space<vmem>>, vector<16xi32>,
    %get3A_388 = arith.constant 416 : index
    %get3A_389 = tpu.vector_load %arg8[%get3A_388] {strides = array<i32>} : memref<512xi32, #tpu.memory_space<vmem>>, vector<16xi32>,
    %gather3A_390 = tpu.vector_load_idx %arg7[%get3A_389] : memref<100352xi32, #tpu.memory_space<vmem>>[vector<16xi32>], vector<16xi32>,
    %swap3A_391 = arith.constant 416 : index
    %swap3A_392 = tpu.vector_load %arg9[%swap3A_391] {strides = array<i32>} : memref<512xi32, #tpu.memory_space<vmem>>, vector<16xi32>,
    tpu.vector_store %arg9[%swap3A_391], %gather3A_390 {strides = array<i32>} : memref<512xi32, #tpu.memory_space<vmem>>, vector<16xi32>,
    %add3A_393 = arith.constant 416 : i32
    %add3A_394 = arith.addi %mul3A_2, %add3A_393 : i32
    %add3A_395 = vector.broadcast %add3A_394 : i32 to vector<16xi32>
    %add3A_396 = arith.addi %iota3A, %add3A_395 : vector<16xi32>
    %ge3A_397 = arith.constant 0 : i32
    %ge3A_398 = vector.broadcast %ge3A_397 : i32 to vector<16xi32>
    %ge3A_399 = arith.cmpi sge, %gather3A_390, %ge3A_398 : vector<16xi32>
    %select_n3A_400 = arith.select %ge3A_399, %gather3A_390, %add3A_396 : vector<16xi1>, vector<16xi32>
    %swap3A_401 = arith.constant 416 : index
    %swap3A_402 = tpu.vector_load %arg10[%swap3A_401] {strides = array<i32>} : memref<512xi32, #tpu.memory_space<vmem>>, vector<16xi32>,
    tpu.vector_store %arg10[%swap3A_401], %select_n3A_400 {strides = array<i32>} : memref<512xi32, #tpu.memory_space<vmem>>, vector<16xi32>,
    %get3A_403 = arith.constant 432 : index
    %get3A_404 = tpu.vector_load %arg8[%get3A_403] {strides = array<i32>} : memref<512xi32, #tpu.memory_space<vmem>>, vector<16xi32>,
    %gather3A_405 = tpu.vector_load_idx %arg7[%get3A_404] : memref<100352xi32, #tpu.memory_space<vmem>>[vector<16xi32>], vector<16xi32>,
    %swap3A_406 = arith.constant 432 : index
    %swap3A_407 = tpu.vector_load %arg9[%swap3A_406] {strides = array<i32>} : memref<512xi32, #tpu.memory_space<vmem>>, vector<16xi32>,
    tpu.vector_store %arg9[%swap3A_406], %gather3A_405 {strides = array<i32>} : memref<512xi32, #tpu.memory_space<vmem>>, vector<16xi32>,
    %add3A_408 = arith.constant 432 : i32
    %add3A_409 = arith.addi %mul3A_2, %add3A_408 : i32
    %add3A_410 = vector.broadcast %add3A_409 : i32 to vector<16xi32>
    %add3A_411 = arith.addi %iota3A, %add3A_410 : vector<16xi32>
    %ge3A_412 = arith.constant 0 : i32
    %ge3A_413 = vector.broadcast %ge3A_412 : i32 to vector<16xi32>
    %ge3A_414 = arith.cmpi sge, %gather3A_405, %ge3A_413 : vector<16xi32>
    %select_n3A_415 = arith.select %ge3A_414, %gather3A_405, %add3A_411 : vector<16xi1>, vector<16xi32>
    %swap3A_416 = arith.constant 432 : index
    %swap3A_417 = tpu.vector_load %arg10[%swap3A_416] {strides = array<i32>} : memref<512xi32, #tpu.memory_space<vmem>>, vector<16xi32>,
    tpu.vector_store %arg10[%swap3A_416], %select_n3A_415 {strides = array<i32>} : memref<512xi32, #tpu.memory_space<vmem>>, vector<16xi32>,
    %get3A_418 = arith.constant 448 : index
    %get3A_419 = tpu.vector_load %arg8[%get3A_418] {strides = array<i32>} : memref<512xi32, #tpu.memory_space<vmem>>, vector<16xi32>,
    %gather3A_420 = tpu.vector_load_idx %arg7[%get3A_419] : memref<100352xi32, #tpu.memory_space<vmem>>[vector<16xi32>], vector<16xi32>,
    %swap3A_421 = arith.constant 448 : index
    %swap3A_422 = tpu.vector_load %arg9[%swap3A_421] {strides = array<i32>} : memref<512xi32, #tpu.memory_space<vmem>>, vector<16xi32>,
    tpu.vector_store %arg9[%swap3A_421], %gather3A_420 {strides = array<i32>} : memref<512xi32, #tpu.memory_space<vmem>>, vector<16xi32>,
    %add3A_423 = arith.constant 448 : i32
    %add3A_424 = arith.addi %mul3A_2, %add3A_423 : i32
    %add3A_425 = vector.broadcast %add3A_424 : i32 to vector<16xi32>
    %add3A_426 = arith.addi %iota3A, %add3A_425 : vector<16xi32>
    %ge3A_427 = arith.constant 0 : i32
    %ge3A_428 = vector.broadcast %ge3A_427 : i32 to vector<16xi32>
    %ge3A_429 = arith.cmpi sge, %gather3A_420, %ge3A_428 : vector<16xi32>
    %select_n3A_430 = arith.select %ge3A_429, %gather3A_420, %add3A_426 : vector<16xi1>, vector<16xi32>
    %swap3A_431 = arith.constant 448 : index
    %swap3A_432 = tpu.vector_load %arg10[%swap3A_431] {strides = array<i32>} : memref<512xi32, #tpu.memory_space<vmem>>, vector<16xi32>,
    tpu.vector_store %arg10[%swap3A_431], %select_n3A_430 {strides = array<i32>} : memref<512xi32, #tpu.memory_space<vmem>>, vector<16xi32>,
    %get3A_433 = arith.constant 464 : index
    %get3A_434 = tpu.vector_load %arg8[%get3A_433] {strides = array<i32>} : memref<512xi32, #tpu.memory_space<vmem>>, vector<16xi32>,
    %gather3A_435 = tpu.vector_load_idx %arg7[%get3A_434] : memref<100352xi32, #tpu.memory_space<vmem>>[vector<16xi32>], vector<16xi32>,
    %swap3A_436 = arith.constant 464 : index
    %swap3A_437 = tpu.vector_load %arg9[%swap3A_436] {strides = array<i32>} : memref<512xi32, #tpu.memory_space<vmem>>, vector<16xi32>,
    tpu.vector_store %arg9[%swap3A_436], %gather3A_435 {strides = array<i32>} : memref<512xi32, #tpu.memory_space<vmem>>, vector<16xi32>,
    %add3A_438 = arith.constant 464 : i32
    %add3A_439 = arith.addi %mul3A_2, %add3A_438 : i32
    %add3A_440 = vector.broadcast %add3A_439 : i32 to vector<16xi32>
    %add3A_441 = arith.addi %iota3A, %add3A_440 : vector<16xi32>
    %ge3A_442 = arith.constant 0 : i32
    %ge3A_443 = vector.broadcast %ge3A_442 : i32 to vector<16xi32>
    %ge3A_444 = arith.cmpi sge, %gather3A_435, %ge3A_443 : vector<16xi32>
    %select_n3A_445 = arith.select %ge3A_444, %gather3A_435, %add3A_441 : vector<16xi1>, vector<16xi32>
    %swap3A_446 = arith.constant 464 : index
    %swap3A_447 = tpu.vector_load %arg10[%swap3A_446] {strides = array<i32>} : memref<512xi32, #tpu.memory_space<vmem>>, vector<16xi32>,
    tpu.vector_store %arg10[%swap3A_446], %select_n3A_445 {strides = array<i32>} : memref<512xi32, #tpu.memory_space<vmem>>, vector<16xi32>,
    %get3A_448 = arith.constant 480 : index
    %get3A_449 = tpu.vector_load %arg8[%get3A_448] {strides = array<i32>} : memref<512xi32, #tpu.memory_space<vmem>>, vector<16xi32>,
    %gather3A_450 = tpu.vector_load_idx %arg7[%get3A_449] : memref<100352xi32, #tpu.memory_space<vmem>>[vector<16xi32>], vector<16xi32>,
    %swap3A_451 = arith.constant 480 : index
    %swap3A_452 = tpu.vector_load %arg9[%swap3A_451] {strides = array<i32>} : memref<512xi32, #tpu.memory_space<vmem>>, vector<16xi32>,
    tpu.vector_store %arg9[%swap3A_451], %gather3A_450 {strides = array<i32>} : memref<512xi32, #tpu.memory_space<vmem>>, vector<16xi32>,
    %add3A_453 = arith.constant 480 : i32
    %add3A_454 = arith.addi %mul3A_2, %add3A_453 : i32
    %add3A_455 = vector.broadcast %add3A_454 : i32 to vector<16xi32>
    %add3A_456 = arith.addi %iota3A, %add3A_455 : vector<16xi32>
    %ge3A_457 = arith.constant 0 : i32
    %ge3A_458 = vector.broadcast %ge3A_457 : i32 to vector<16xi32>
    %ge3A_459 = arith.cmpi sge, %gather3A_450, %ge3A_458 : vector<16xi32>
    %select_n3A_460 = arith.select %ge3A_459, %gather3A_450, %add3A_456 : vector<16xi1>, vector<16xi32>
    %swap3A_461 = arith.constant 480 : index
    %swap3A_462 = tpu.vector_load %arg10[%swap3A_461] {strides = array<i32>} : memref<512xi32, #tpu.memory_space<vmem>>, vector<16xi32>,
    tpu.vector_store %arg10[%swap3A_461], %select_n3A_460 {strides = array<i32>} : memref<512xi32, #tpu.memory_space<vmem>>, vector<16xi32>,
    %get3A_463 = arith.constant 496 : index
    %get3A_464 = tpu.vector_load %arg8[%get3A_463] {strides = array<i32>} : memref<512xi32, #tpu.memory_space<vmem>>, vector<16xi32>,
    %gather3A_465 = tpu.vector_load_idx %arg7[%get3A_464] : memref<100352xi32, #tpu.memory_space<vmem>>[vector<16xi32>], vector<16xi32>,
    %swap3A_466 = arith.constant 496 : index
    %swap3A_467 = tpu.vector_load %arg9[%swap3A_466] {strides = array<i32>} : memref<512xi32, #tpu.memory_space<vmem>>, vector<16xi32>,
    tpu.vector_store %arg9[%swap3A_466], %gather3A_465 {strides = array<i32>} : memref<512xi32, #tpu.memory_space<vmem>>, vector<16xi32>,
    %add3A_468 = arith.constant 496 : i32
    %add3A_469 = arith.addi %mul3A_2, %add3A_468 : i32
    %add3A_470 = vector.broadcast %add3A_469 : i32 to vector<16xi32>
    %add3A_471 = arith.addi %iota3A, %add3A_470 : vector<16xi32>
    %ge3A_472 = arith.constant 0 : i32
    %ge3A_473 = vector.broadcast %ge3A_472 : i32 to vector<16xi32>
    %ge3A_474 = arith.cmpi sge, %gather3A_465, %ge3A_473 : vector<16xi32>
    %select_n3A_475 = arith.select %ge3A_474, %gather3A_465, %add3A_471 : vector<16xi1>, vector<16xi32>
    %swap3A_476 = arith.constant 496 : index
    %swap3A_477 = tpu.vector_load %arg10[%swap3A_476] {strides = array<i32>} : memref<512xi32, #tpu.memory_space<vmem>>, vector<16xi32>,
    tpu.vector_store %arg10[%swap3A_476], %select_n3A_475 {strides = array<i32>} : memref<512xi32, #tpu.memory_space<vmem>>, vector<16xi32>,
    %dma_start3A = arith.constant 0 : i32
    %dma_start3A_478 = arith.constant 0 : i32
    %dma_start3A_479 = arith.constant 0 : i32
    %dma_start3A_480 = tpu.memref_slice %arg11[%dma_start3A, %dma_start3A_478, %dma_start3A_479] : memref<2x128x64xf32, #tpu.memory_space<vmem>> -> memref<1x128x64xf32, #tpu.memory_space<vmem>>
    %dma_start3A_481 = tpu.memref_squeeze %dma_start3A_480 : memref<1x128x64xf32, #tpu.memory_space<vmem>> -> memref<128x64xf32, #tpu.memory_space<vmem>>
    %dma_start3A_482 = arith.constant 0 : i32
    %dma_start3A_483 = tpu.memref_slice %arg10[%dma_start3A_482] : memref<512xi32, #tpu.memory_space<vmem>> -> memref<128xi32, #tpu.memory_space<vmem>>
    %dma_start3A_484 = arith.constant 0 : i32
    %dma_start3A_485 = arith.constant 0 : i32
    %dma_start3A_486 = tpu.memref_slice %arg3[%dma_start3A_484, %dma_start3A_485] : memref<16384x64xf32, #tpu.memory_space<hbm>> -> memref<16384x64xf32, #tpu.memory_space<hbm>>
    tpu.enqueue_indirect_dma source(%dma_start3A_486 : memref<16384x64xf32, #tpu.memory_space<hbm>>) target(%dma_start3A_481 : memref<128x64xf32, #tpu.memory_space<vmem>>) offsets(%dma_start3A_483 : memref<128xi32, #tpu.memory_space<vmem>>) semaphore(%arg13 : memref<!tpu.dma_semaphore, #tpu.memory_space<semaphore_mem>>)
    %dma_start3A_487 = arith.constant 1 : i32
    %dma_start3A_488 = arith.constant 0 : i32
    %dma_start3A_489 = arith.constant 0 : i32
    %dma_start3A_490 = tpu.memref_slice %arg11[%dma_start3A_487, %dma_start3A_488, %dma_start3A_489] : memref<2x128x64xf32, #tpu.memory_space<vmem>> -> memref<1x128x64xf32, #tpu.memory_space<vmem>>
    %dma_start3A_491 = tpu.memref_squeeze %dma_start3A_490 : memref<1x128x64xf32, #tpu.memory_space<vmem>> -> memref<128x64xf32, #tpu.memory_space<vmem>>
    %dma_start3A_492 = arith.constant 128 : i32
    %dma_start3A_493 = tpu.memref_slice %arg10[%dma_start3A_492] : memref<512xi32, #tpu.memory_space<vmem>> -> memref<128xi32, #tpu.memory_space<vmem>>
    %dma_start3A_494 = arith.constant 0 : i32
    %dma_start3A_495 = arith.constant 0 : i32
    %dma_start3A_496 = tpu.memref_slice %arg3[%dma_start3A_494, %dma_start3A_495] : memref<16384x64xf32, #tpu.memory_space<hbm>> -> memref<16384x64xf32, #tpu.memory_space<hbm>>
    tpu.enqueue_indirect_dma source(%dma_start3A_496 : memref<16384x64xf32, #tpu.memory_space<hbm>>) target(%dma_start3A_491 : memref<128x64xf32, #tpu.memory_space<vmem>>) offsets(%dma_start3A_493 : memref<128xi32, #tpu.memory_space<vmem>>) semaphore(%arg13 : memref<!tpu.dma_semaphore, #tpu.memory_space<semaphore_mem>>)
    %dma_wait3A = arith.constant 0 : i32
    %dma_wait3A_497 = arith.constant 0 : i32
    %dma_wait3A_498 = arith.constant 0 : i32
    %dma_wait3A_499 = tpu.memref_slice %arg11[%dma_wait3A, %dma_wait3A_497, %dma_wait3A_498] : memref<2x128x64xf32, #tpu.memory_space<vmem>> -> memref<1x128x64xf32, #tpu.memory_space<vmem>>
    %dma_wait3A_500 = tpu.memref_squeeze %dma_wait3A_499 : memref<1x128x64xf32, #tpu.memory_space<vmem>> -> memref<128x64xf32, #tpu.memory_space<vmem>>
    %dma_wait3A_501 = arith.constant 0 : i32
    %dma_wait3A_502 = tpu.memref_slice %arg10[%dma_wait3A_501] : memref<512xi32, #tpu.memory_space<vmem>> -> memref<128xi32, #tpu.memory_space<vmem>>
    %dma_wait3A_503 = arith.constant 0 : i32
    %dma_wait3A_504 = arith.constant 0 : i32
    %dma_wait3A_505 = tpu.memref_slice %arg3[%dma_wait3A_503, %dma_wait3A_504] : memref<16384x64xf32, #tpu.memory_space<hbm>> -> memref<16384x64xf32, #tpu.memory_space<hbm>>
    tpu.wait_indirect_dma semaphore(%arg13 : memref<!tpu.dma_semaphore, #tpu.memory_space<semaphore_mem>>) src(%dma_wait3A_505 : memref<16384x64xf32, #tpu.memory_space<hbm>>) dst(%dma_wait3A_500 : memref<128x64xf32, #tpu.memory_space<vmem>>)
    %add3A_506 = arith.constant 0 : i32
    %add3A_507 = arith.addi %mul3A_2, %add3A_506 : i32
    %run_scoped3A = arith.constant 0 : i32
    "tpu.region"() ({
      %run_scoped3A_567 = tpu.sem_alloc : memref<!tpu.dma_semaphore, #tpu.memory_space<semaphore_mem>>
      %dma_start3A_568 = arith.constant 0 : i32
      %dma_start3A_569 = arith.constant 0 : i32
      %dma_start3A_570 = tpu.memref_slice %arg11[%run_scoped3A, %dma_start3A_568, %dma_start3A_569] : memref<2x128x64xf32, #tpu.memory_space<vmem>> -> memref<1x128x64xf32, #tpu.memory_space<vmem>>
      %dma_start3A_571 = tpu.memref_squeeze %dma_start3A_570 : memref<1x128x64xf32, #tpu.memory_space<vmem>> -> memref<128x64xf32, #tpu.memory_space<vmem>>
      %dma_start3A_572 = arith.constant 0 : i32
      %dma_start3A_573 = tpu.memref_slice %arg6[%add3A_507, %dma_start3A_572] : memref<16384x64xf32, #tpu.memory_space<hbm>> -> memref<128x64xf32, #tpu.memory_space<hbm>>
      %dma_start3A_574 = arith.constant 0 : i32
      %dma_start3A_575 = tpu.memref_slice %arg6[%add3A_507, %dma_start3A_574] : memref<16384x64xf32, #tpu.memory_space<hbm>> -> memref<128x64xf32, #tpu.memory_space<hbm>>
      %dma_start3A_576 = arith.constant 0 : i32
      %dma_start3A_577 = arith.constant 0 : i32
      %dma_start3A_578 = tpu.memref_slice %arg11[%run_scoped3A, %dma_start3A_576, %dma_start3A_577] : memref<2x128x64xf32, #tpu.memory_space<vmem>> -> memref<1x128x64xf32, #tpu.memory_space<vmem>>
      %dma_start3A_579 = tpu.memref_squeeze %dma_start3A_578 : memref<1x128x64xf32, #tpu.memory_space<vmem>> -> memref<128x64xf32, #tpu.memory_space<vmem>>
      tpu.enqueue_dma source(%dma_start3A_579 : memref<128x64xf32, #tpu.memory_space<vmem>>) target(%dma_start3A_575 : memref<128x64xf32, #tpu.memory_space<hbm>>) target_semaphore(%run_scoped3A_567 : memref<!tpu.dma_semaphore, #tpu.memory_space<semaphore_mem>>)
      %dma_wait3A_580 = arith.constant 0 : i32
      %dma_wait3A_581 = arith.constant 0 : i32
      %dma_wait3A_582 = tpu.memref_slice %arg11[%run_scoped3A, %dma_wait3A_580, %dma_wait3A_581] : memref<2x128x64xf32, #tpu.memory_space<vmem>> -> memref<1x128x64xf32, #tpu.memory_space<vmem>>
      %dma_wait3A_583 = tpu.memref_squeeze %dma_wait3A_582 : memref<1x128x64xf32, #tpu.memory_space<vmem>> -> memref<128x64xf32, #tpu.memory_space<vmem>>
      %dma_wait3A_584 = arith.constant 0 : i32
      %dma_wait3A_585 = tpu.memref_slice %arg6[%add3A_507, %dma_wait3A_584] : memref<16384x64xf32, #tpu.memory_space<hbm>> -> memref<128x64xf32, #tpu.memory_space<hbm>>
      %dma_wait3A_586 = arith.constant 0 : i32
      %dma_wait3A_587 = tpu.memref_slice %arg6[%add3A_507, %dma_wait3A_586] : memref<16384x64xf32, #tpu.memory_space<hbm>> -> memref<128x64xf32, #tpu.memory_space<hbm>>
      %dma_wait3A_588 = arith.constant 0 : i32
      %dma_wait3A_589 = arith.constant 0 : i32
      %dma_wait3A_590 = tpu.memref_slice %arg11[%run_scoped3A, %dma_wait3A_588, %dma_wait3A_589] : memref<2x128x64xf32, #tpu.memory_space<vmem>> -> memref<1x128x64xf32, #tpu.memory_space<vmem>>
      %dma_wait3A_591 = tpu.memref_squeeze %dma_wait3A_590 : memref<1x128x64xf32, #tpu.memory_space<vmem>> -> memref<128x64xf32, #tpu.memory_space<vmem>>
      tpu.wait_dma2 semaphore(%run_scoped3A_567 : memref<!tpu.dma_semaphore, #tpu.memory_space<semaphore_mem>>) src(%dma_wait3A_591 : memref<128x64xf32, #tpu.memory_space<vmem>>) dst(%dma_wait3A_587 : memref<128x64xf32, #tpu.memory_space<hbm>>)
      tpu.yield
    }) : () -> ()
    %dma_start3A_508 = arith.constant 0 : i32
    %dma_start3A_509 = arith.constant 0 : i32
    %dma_start3A_510 = arith.constant 0 : i32
    %dma_start3A_511 = tpu.memref_slice %arg11[%dma_start3A_508, %dma_start3A_509, %dma_start3A_510] : memref<2x128x64xf32, #tpu.memory_space<vmem>> -> memref<1x128x64xf32, #tpu.memory_space<vmem>>
    %dma_start3A_512 = tpu.memref_squeeze %dma_start3A_511 : memref<1x128x64xf32, #tpu.memory_space<vmem>> -> memref<128x64xf32, #tpu.memory_space<vmem>>
    %dma_start3A_513 = arith.constant 256 : i32
    %dma_start3A_514 = tpu.memref_slice %arg10[%dma_start3A_513] : memref<512xi32, #tpu.memory_space<vmem>> -> memref<128xi32, #tpu.memory_space<vmem>>
    %dma_start3A_515 = arith.constant 0 : i32
    %dma_start3A_516 = arith.constant 0 : i32
    %dma_start3A_517 = tpu.memref_slice %arg3[%dma_start3A_515, %dma_start3A_516] : memref<16384x64xf32, #tpu.memory_space<hbm>> -> memref<16384x64xf32, #tpu.memory_space<hbm>>
    tpu.enqueue_indirect_dma source(%dma_start3A_517 : memref<16384x64xf32, #tpu.memory_space<hbm>>) target(%dma_start3A_512 : memref<128x64xf32, #tpu.memory_space<vmem>>) offsets(%dma_start3A_514 : memref<128xi32, #tpu.memory_space<vmem>>) semaphore(%arg13 : memref<!tpu.dma_semaphore, #tpu.memory_space<semaphore_mem>>)
    %dma_wait3A_518 = arith.constant 1 : i32
    %dma_wait3A_519 = arith.constant 0 : i32
    %dma_wait3A_520 = arith.constant 0 : i32
    %dma_wait3A_521 = tpu.memref_slice %arg11[%dma_wait3A_518, %dma_wait3A_519, %dma_wait3A_520] : memref<2x128x64xf32, #tpu.memory_space<vmem>> -> memref<1x128x64xf32, #tpu.memory_space<vmem>>
    %dma_wait3A_522 = tpu.memref_squeeze %dma_wait3A_521 : memref<1x128x64xf32, #tpu.memory_space<vmem>> -> memref<128x64xf32, #tpu.memory_space<vmem>>
    %dma_wait3A_523 = arith.constant 128 : i32
    %dma_wait3A_524 = tpu.memref_slice %arg10[%dma_wait3A_523] : memref<512xi32, #tpu.memory_space<vmem>> -> memref<128xi32, #tpu.memory_space<vmem>>
    %dma_wait3A_525 = arith.constant 0 : i32
    %dma_wait3A_526 = arith.constant 0 : i32
    %dma_wait3A_527 = tpu.memref_slice %arg3[%dma_wait3A_525, %dma_wait3A_526] : memref<16384x64xf32, #tpu.memory_space<hbm>> -> memref<16384x64xf32, #tpu.memory_space<hbm>>
    tpu.wait_indirect_dma semaphore(%arg13 : memref<!tpu.dma_semaphore, #tpu.memory_space<semaphore_mem>>) src(%dma_wait3A_527 : memref<16384x64xf32, #tpu.memory_space<hbm>>) dst(%dma_wait3A_522 : memref<128x64xf32, #tpu.memory_space<vmem>>)
    %add3A_528 = arith.constant 128 : i32
    %add3A_529 = arith.addi %mul3A_2, %add3A_528 : i32
    %run_scoped3A_530 = arith.constant 1 : i32
    "tpu.region"() ({
      %run_scoped3A_567 = tpu.sem_alloc : memref<!tpu.dma_semaphore, #tpu.memory_space<semaphore_mem>>
      %dma_start3A_568 = arith.constant 0 : i32
      %dma_start3A_569 = arith.constant 0 : i32
      %dma_start3A_570 = tpu.memref_slice %arg11[%run_scoped3A_530, %dma_start3A_568, %dma_start3A_569] : memref<2x128x64xf32, #tpu.memory_space<vmem>> -> memref<1x128x64xf32, #tpu.memory_space<vmem>>
      %dma_start3A_571 = tpu.memref_squeeze %dma_start3A_570 : memref<1x128x64xf32, #tpu.memory_space<vmem>> -> memref<128x64xf32, #tpu.memory_space<vmem>>
      %dma_start3A_572 = arith.constant 0 : i32
      %dma_start3A_573 = tpu.memref_slice %arg6[%add3A_529, %dma_start3A_572] : memref<16384x64xf32, #tpu.memory_space<hbm>> -> memref<128x64xf32, #tpu.memory_space<hbm>>
      %dma_start3A_574 = arith.constant 0 : i32
      %dma_start3A_575 = tpu.memref_slice %arg6[%add3A_529, %dma_start3A_574] : memref<16384x64xf32, #tpu.memory_space<hbm>> -> memref<128x64xf32, #tpu.memory_space<hbm>>
      %dma_start3A_576 = arith.constant 0 : i32
      %dma_start3A_577 = arith.constant 0 : i32
      %dma_start3A_578 = tpu.memref_slice %arg11[%run_scoped3A_530, %dma_start3A_576, %dma_start3A_577] : memref<2x128x64xf32, #tpu.memory_space<vmem>> -> memref<1x128x64xf32, #tpu.memory_space<vmem>>
      %dma_start3A_579 = tpu.memref_squeeze %dma_start3A_578 : memref<1x128x64xf32, #tpu.memory_space<vmem>> -> memref<128x64xf32, #tpu.memory_space<vmem>>
      tpu.enqueue_dma source(%dma_start3A_579 : memref<128x64xf32, #tpu.memory_space<vmem>>) target(%dma_start3A_575 : memref<128x64xf32, #tpu.memory_space<hbm>>) target_semaphore(%run_scoped3A_567 : memref<!tpu.dma_semaphore, #tpu.memory_space<semaphore_mem>>)
      %dma_wait3A_580 = arith.constant 0 : i32
      %dma_wait3A_581 = arith.constant 0 : i32
      %dma_wait3A_582 = tpu.memref_slice %arg11[%run_scoped3A_530, %dma_wait3A_580, %dma_wait3A_581] : memref<2x128x64xf32, #tpu.memory_space<vmem>> -> memref<1x128x64xf32, #tpu.memory_space<vmem>>
      %dma_wait3A_583 = tpu.memref_squeeze %dma_wait3A_582 : memref<1x128x64xf32, #tpu.memory_space<vmem>> -> memref<128x64xf32, #tpu.memory_space<vmem>>
      %dma_wait3A_584 = arith.constant 0 : i32
      %dma_wait3A_585 = tpu.memref_slice %arg6[%add3A_529, %dma_wait3A_584] : memref<16384x64xf32, #tpu.memory_space<hbm>> -> memref<128x64xf32, #tpu.memory_space<hbm>>
      %dma_wait3A_586 = arith.constant 0 : i32
      %dma_wait3A_587 = tpu.memref_slice %arg6[%add3A_529, %dma_wait3A_586] : memref<16384x64xf32, #tpu.memory_space<hbm>> -> memref<128x64xf32, #tpu.memory_space<hbm>>
      %dma_wait3A_588 = arith.constant 0 : i32
      %dma_wait3A_589 = arith.constant 0 : i32
      %dma_wait3A_590 = tpu.memref_slice %arg11[%run_scoped3A_530, %dma_wait3A_588, %dma_wait3A_589] : memref<2x128x64xf32, #tpu.memory_space<vmem>> -> memref<1x128x64xf32, #tpu.memory_space<vmem>>
      %dma_wait3A_591 = tpu.memref_squeeze %dma_wait3A_590 : memref<1x128x64xf32, #tpu.memory_space<vmem>> -> memref<128x64xf32, #tpu.memory_space<vmem>>
      tpu.wait_dma2 semaphore(%run_scoped3A_567 : memref<!tpu.dma_semaphore, #tpu.memory_space<semaphore_mem>>) src(%dma_wait3A_591 : memref<128x64xf32, #tpu.memory_space<vmem>>) dst(%dma_wait3A_587 : memref<128x64xf32, #tpu.memory_space<hbm>>)
      tpu.yield
    }) : () -> ()
    %dma_start3A_531 = arith.constant 1 : i32
    %dma_start3A_532 = arith.constant 0 : i32
    %dma_start3A_533 = arith.constant 0 : i32
    %dma_start3A_534 = tpu.memref_slice %arg11[%dma_start3A_531, %dma_start3A_532, %dma_start3A_533] : memref<2x128x64xf32, #tpu.memory_space<vmem>> -> memref<1x128x64xf32, #tpu.memory_space<vmem>>
    %dma_start3A_535 = tpu.memref_squeeze %dma_start3A_534 : memref<1x128x64xf32, #tpu.memory_space<vmem>> -> memref<128x64xf32, #tpu.memory_space<vmem>>
    %dma_start3A_536 = arith.constant 384 : i32
    %dma_start3A_537 = tpu.memref_slice %arg10[%dma_start3A_536] : memref<512xi32, #tpu.memory_space<vmem>> -> memref<128xi32, #tpu.memory_space<vmem>>
    %dma_start3A_538 = arith.constant 0 : i32
    %dma_start3A_539 = arith.constant 0 : i32
    %dma_start3A_540 = tpu.memref_slice %arg3[%dma_start3A_538, %dma_start3A_539] : memref<16384x64xf32, #tpu.memory_space<hbm>> -> memref<16384x64xf32, #tpu.memory_space<hbm>>
    tpu.enqueue_indirect_dma source(%dma_start3A_540 : memref<16384x64xf32, #tpu.memory_space<hbm>>) target(%dma_start3A_535 : memref<128x64xf32, #tpu.memory_space<vmem>>) offsets(%dma_start3A_537 : memref<128xi32, #tpu.memory_space<vmem>>) semaphore(%arg13 : memref<!tpu.dma_semaphore, #tpu.memory_space<semaphore_mem>>)
    %dma_wait3A_541 = arith.constant 0 : i32
    %dma_wait3A_542 = arith.constant 0 : i32
    %dma_wait3A_543 = arith.constant 0 : i32
    %dma_wait3A_544 = tpu.memref_slice %arg11[%dma_wait3A_541, %dma_wait3A_542, %dma_wait3A_543] : memref<2x128x64xf32, #tpu.memory_space<vmem>> -> memref<1x128x64xf32, #tpu.memory_space<vmem>>
    %dma_wait3A_545 = tpu.memref_squeeze %dma_wait3A_544 : memref<1x128x64xf32, #tpu.memory_space<vmem>> -> memref<128x64xf32, #tpu.memory_space<vmem>>
    %dma_wait3A_546 = arith.constant 256 : i32
    %dma_wait3A_547 = tpu.memref_slice %arg10[%dma_wait3A_546] : memref<512xi32, #tpu.memory_space<vmem>> -> memref<128xi32, #tpu.memory_space<vmem>>
    %dma_wait3A_548 = arith.constant 0 : i32
    %dma_wait3A_549 = arith.constant 0 : i32
    %dma_wait3A_550 = tpu.memref_slice %arg3[%dma_wait3A_548, %dma_wait3A_549] : memref<16384x64xf32, #tpu.memory_space<hbm>> -> memref<16384x64xf32, #tpu.memory_space<hbm>>
    tpu.wait_indirect_dma semaphore(%arg13 : memref<!tpu.dma_semaphore, #tpu.memory_space<semaphore_mem>>) src(%dma_wait3A_550 : memref<16384x64xf32, #tpu.memory_space<hbm>>) dst(%dma_wait3A_545 : memref<128x64xf32, #tpu.memory_space<vmem>>)
    %add3A_551 = arith.constant 256 : i32
    %add3A_552 = arith.addi %mul3A_2, %add3A_551 : i32
    %run_scoped3A_553 = arith.constant 0 : i32
    "tpu.region"() ({
      %run_scoped3A_567 = tpu.sem_alloc : memref<!tpu.dma_semaphore, #tpu.memory_space<semaphore_mem>>
      %dma_start3A_568 = arith.constant 0 : i32
      %dma_start3A_569 = arith.constant 0 : i32
      %dma_start3A_570 = tpu.memref_slice %arg11[%run_scoped3A_553, %dma_start3A_568, %dma_start3A_569] : memref<2x128x64xf32, #tpu.memory_space<vmem>> -> memref<1x128x64xf32, #tpu.memory_space<vmem>>
      %dma_start3A_571 = tpu.memref_squeeze %dma_start3A_570 : memref<1x128x64xf32, #tpu.memory_space<vmem>> -> memref<128x64xf32, #tpu.memory_space<vmem>>
      %dma_start3A_572 = arith.constant 0 : i32
      %dma_start3A_573 = tpu.memref_slice %arg6[%add3A_552, %dma_start3A_572] : memref<16384x64xf32, #tpu.memory_space<hbm>> -> memref<128x64xf32, #tpu.memory_space<hbm>>
      %dma_start3A_574 = arith.constant 0 : i32
      %dma_start3A_575 = tpu.memref_slice %arg6[%add3A_552, %dma_start3A_574] : memref<16384x64xf32, #tpu.memory_space<hbm>> -> memref<128x64xf32, #tpu.memory_space<hbm>>
      %dma_start3A_576 = arith.constant 0 : i32
      %dma_start3A_577 = arith.constant 0 : i32
      %dma_start3A_578 = tpu.memref_slice %arg11[%run_scoped3A_553, %dma_start3A_576, %dma_start3A_577] : memref<2x128x64xf32, #tpu.memory_space<vmem>> -> memref<1x128x64xf32, #tpu.memory_space<vmem>>
      %dma_start3A_579 = tpu.memref_squeeze %dma_start3A_578 : memref<1x128x64xf32, #tpu.memory_space<vmem>> -> memref<128x64xf32, #tpu.memory_space<vmem>>
      tpu.enqueue_dma source(%dma_start3A_579 : memref<128x64xf32, #tpu.memory_space<vmem>>) target(%dma_start3A_575 : memref<128x64xf32, #tpu.memory_space<hbm>>) target_semaphore(%run_scoped3A_567 : memref<!tpu.dma_semaphore, #tpu.memory_space<semaphore_mem>>)
      %dma_wait3A_580 = arith.constant 0 : i32
      %dma_wait3A_581 = arith.constant 0 : i32
      %dma_wait3A_582 = tpu.memref_slice %arg11[%run_scoped3A_553, %dma_wait3A_580, %dma_wait3A_581] : memref<2x128x64xf32, #tpu.memory_space<vmem>> -> memref<1x128x64xf32, #tpu.memory_space<vmem>>
      %dma_wait3A_583 = tpu.memref_squeeze %dma_wait3A_582 : memref<1x128x64xf32, #tpu.memory_space<vmem>> -> memref<128x64xf32, #tpu.memory_space<vmem>>
      %dma_wait3A_584 = arith.constant 0 : i32
      %dma_wait3A_585 = tpu.memref_slice %arg6[%add3A_552, %dma_wait3A_584] : memref<16384x64xf32, #tpu.memory_space<hbm>> -> memref<128x64xf32, #tpu.memory_space<hbm>>
      %dma_wait3A_586 = arith.constant 0 : i32
      %dma_wait3A_587 = tpu.memref_slice %arg6[%add3A_552, %dma_wait3A_586] : memref<16384x64xf32, #tpu.memory_space<hbm>> -> memref<128x64xf32, #tpu.memory_space<hbm>>
      %dma_wait3A_588 = arith.constant 0 : i32
      %dma_wait3A_589 = arith.constant 0 : i32
      %dma_wait3A_590 = tpu.memref_slice %arg11[%run_scoped3A_553, %dma_wait3A_588, %dma_wait3A_589] : memref<2x128x64xf32, #tpu.memory_space<vmem>> -> memref<1x128x64xf32, #tpu.memory_space<vmem>>
      %dma_wait3A_591 = tpu.memref_squeeze %dma_wait3A_590 : memref<1x128x64xf32, #tpu.memory_space<vmem>> -> memref<128x64xf32, #tpu.memory_space<vmem>>
      tpu.wait_dma2 semaphore(%run_scoped3A_567 : memref<!tpu.dma_semaphore, #tpu.memory_space<semaphore_mem>>) src(%dma_wait3A_591 : memref<128x64xf32, #tpu.memory_space<vmem>>) dst(%dma_wait3A_587 : memref<128x64xf32, #tpu.memory_space<hbm>>)
      tpu.yield
    }) : () -> ()
    %dma_wait3A_554 = arith.constant 1 : i32
    %dma_wait3A_555 = arith.constant 0 : i32
    %dma_wait3A_556 = arith.constant 0 : i32
    %dma_wait3A_557 = tpu.memref_slice %arg11[%dma_wait3A_554, %dma_wait3A_555, %dma_wait3A_556] : memref<2x128x64xf32, #tpu.memory_space<vmem>> -> memref<1x128x64xf32, #tpu.memory_space<vmem>>
    %dma_wait3A_558 = tpu.memref_squeeze %dma_wait3A_557 : memref<1x128x64xf32, #tpu.memory_space<vmem>> -> memref<128x64xf32, #tpu.memory_space<vmem>>
    %dma_wait3A_559 = arith.constant 384 : i32
    %dma_wait3A_560 = tpu.memref_slice %arg10[%dma_wait3A_559] : memref<512xi32, #tpu.memory_space<vmem>> -> memref<128xi32, #tpu.memory_space<vmem>>
    %dma_wait3A_561 = arith.constant 0 : i32
    %dma_wait3A_562 = arith.constant 0 : i32
    %dma_wait3A_563 = tpu.memref_slice %arg3[%dma_wait3A_561, %dma_wait3A_562] : memref<16384x64xf32, #tpu.memory_space<hbm>> -> memref<16384x64xf32, #tpu.memory_space<hbm>>
    tpu.wait_indirect_dma semaphore(%arg13 : memref<!tpu.dma_semaphore, #tpu.memory_space<semaphore_mem>>) src(%dma_wait3A_563 : memref<16384x64xf32, #tpu.memory_space<hbm>>) dst(%dma_wait3A_558 : memref<128x64xf32, #tpu.memory_space<vmem>>)
    %add3A_564 = arith.constant 384 : i32
    %add3A_565 = arith.addi %mul3A_2, %add3A_564 : i32
    %run_scoped3A_566 = arith.constant 1 : i32
    "tpu.region"() ({
      %run_scoped3A_567 = tpu.sem_alloc : memref<!tpu.dma_semaphore, #tpu.memory_space<semaphore_mem>>
      %dma_start3A_568 = arith.constant 0 : i32
      %dma_start3A_569 = arith.constant 0 : i32
      %dma_start3A_570 = tpu.memref_slice %arg11[%run_scoped3A_566, %dma_start3A_568, %dma_start3A_569] : memref<2x128x64xf32, #tpu.memory_space<vmem>> -> memref<1x128x64xf32, #tpu.memory_space<vmem>>
      %dma_start3A_571 = tpu.memref_squeeze %dma_start3A_570 : memref<1x128x64xf32, #tpu.memory_space<vmem>> -> memref<128x64xf32, #tpu.memory_space<vmem>>
      %dma_start3A_572 = arith.constant 0 : i32
      %dma_start3A_573 = tpu.memref_slice %arg6[%add3A_565, %dma_start3A_572] : memref<16384x64xf32, #tpu.memory_space<hbm>> -> memref<128x64xf32, #tpu.memory_space<hbm>>
      %dma_start3A_574 = arith.constant 0 : i32
      %dma_start3A_575 = tpu.memref_slice %arg6[%add3A_565, %dma_start3A_574] : memref<16384x64xf32, #tpu.memory_space<hbm>> -> memref<128x64xf32, #tpu.memory_space<hbm>>
      %dma_start3A_576 = arith.constant 0 : i32
      %dma_start3A_577 = arith.constant 0 : i32
      %dma_start3A_578 = tpu.memref_slice %arg11[%run_scoped3A_566, %dma_start3A_576, %dma_start3A_577] : memref<2x128x64xf32, #tpu.memory_space<vmem>> -> memref<1x128x64xf32, #tpu.memory_space<vmem>>
      %dma_start3A_579 = tpu.memref_squeeze %dma_start3A_578 : memref<1x128x64xf32, #tpu.memory_space<vmem>> -> memref<128x64xf32, #tpu.memory_space<vmem>>
      tpu.enqueue_dma source(%dma_start3A_579 : memref<128x64xf32, #tpu.memory_space<vmem>>) target(%dma_start3A_575 : memref<128x64xf32, #tpu.memory_space<hbm>>) target_semaphore(%run_scoped3A_567 : memref<!tpu.dma_semaphore, #tpu.memory_space<semaphore_mem>>)
      %dma_wait3A_580 = arith.constant 0 : i32
      %dma_wait3A_581 = arith.constant 0 : i32
      %dma_wait3A_582 = tpu.memref_slice %arg11[%run_scoped3A_566, %dma_wait3A_580, %dma_wait3A_581] : memref<2x128x64xf32, #tpu.memory_space<vmem>> -> memref<1x128x64xf32, #tpu.memory_space<vmem>>
      %dma_wait3A_583 = tpu.memref_squeeze %dma_wait3A_582 : memref<1x128x64xf32, #tpu.memory_space<vmem>> -> memref<128x64xf32, #tpu.memory_space<vmem>>
      %dma_wait3A_584 = arith.constant 0 : i32
      %dma_wait3A_585 = tpu.memref_slice %arg6[%add3A_565, %dma_wait3A_584] : memref<16384x64xf32, #tpu.memory_space<hbm>> -> memref<128x64xf32, #tpu.memory_space<hbm>>
      %dma_wait3A_586 = arith.constant 0 : i32
      %dma_wait3A_587 = tpu.memref_slice %arg6[%add3A_565, %dma_wait3A_586] : memref<16384x64xf32, #tpu.memory_space<hbm>> -> memref<128x64xf32, #tpu.memory_space<hbm>>
      %dma_wait3A_588 = arith.constant 0 : i32
      %dma_wait3A_589 = arith.constant 0 : i32
      %dma_wait3A_590 = tpu.memref_slice %arg11[%run_scoped3A_566, %dma_wait3A_588, %dma_wait3A_589] : memref<2x128x64xf32, #tpu.memory_space<vmem>> -> memref<1x128x64xf32, #tpu.memory_space<vmem>>
      %dma_wait3A_591 = tpu.memref_squeeze %dma_wait3A_590 : memref<1x128x64xf32, #tpu.memory_space<vmem>> -> memref<128x64xf32, #tpu.memory_space<vmem>>
      tpu.wait_dma2 semaphore(%run_scoped3A_567 : memref<!tpu.dma_semaphore, #tpu.memory_space<semaphore_mem>>) src(%dma_wait3A_591 : memref<128x64xf32, #tpu.memory_space<vmem>>) dst(%dma_wait3A_587 : memref<128x64xf32, #tpu.memory_space<hbm>>)
      tpu.yield
    }) : () -> ()
    "tpu.region"() ({
      %run_scoped3A_567 = tpu.sem_alloc : memref<!tpu.dma_semaphore, #tpu.memory_space<semaphore_mem>>
      %dma_start3A_568 = tpu.memref_slice %arg5[%mul3A_2] : memref<16384xi32, #tpu.memory_space<hbm>> -> memref<512xi32, #tpu.memory_space<hbm>>
      %dma_start3A_569 = tpu.memref_slice %arg5[%mul3A_2] : memref<16384xi32, #tpu.memory_space<hbm>> -> memref<512xi32, #tpu.memory_space<hbm>>
      tpu.enqueue_dma source(%arg9 : memref<512xi32, #tpu.memory_space<vmem>>) target(%dma_start3A_569 : memref<512xi32, #tpu.memory_space<hbm>>) target_semaphore(%run_scoped3A_567 : memref<!tpu.dma_semaphore, #tpu.memory_space<semaphore_mem>>)
      %dma_wait3A_570 = tpu.memref_slice %arg5[%mul3A_2] : memref<16384xi32, #tpu.memory_space<hbm>> -> memref<512xi32, #tpu.memory_space<hbm>>
      %dma_wait3A_571 = tpu.memref_slice %arg5[%mul3A_2] : memref<16384xi32, #tpu.memory_space<hbm>> -> memref<512xi32, #tpu.memory_space<hbm>>
      tpu.wait_dma2 semaphore(%run_scoped3A_567 : memref<!tpu.dma_semaphore, #tpu.memory_space<semaphore_mem>>) src(%arg9 : memref<512xi32, #tpu.memory_space<vmem>>) dst(%dma_wait3A_571 : memref<512xi32, #tpu.memory_space<hbm>>)
      tpu.yield
    }) : () -> ()
    return
  }
}

#map = affine_map<(d0, d1) -> (0)>
#map1 = affine_map<(d0, d1) -> (0, 0)>
module attributes {stable_mosaic.version = 14 : i64} {
  func.func @_build_table(%arg0: i32, %arg1: i32, %arg2: memref<16384xi32, #tpu.memory_space<hbm>>, %arg3: memref<16384xi32, #tpu.memory_space<hbm>>, %arg4: memref<100000x64xf32, #tpu.memory_space<hbm>>, %arg5: memref<100352xi32, #tpu.memory_space<hbm>>, %arg6: memref<16384x64xf32, #tpu.memory_space<hbm>>, %arg7: memref<16384xi32, #tpu.memory_space<vmem>>, %arg8: memref<3136xi32, #tpu.memory_space<vmem>>, %arg9: memref<512xi32, #tpu.memory_space<vmem>>, %arg10: memref<512x64xf32, #tpu.memory_space<vmem>>, %arg11: memref<!tpu.dma_semaphore, #tpu.memory_space<semaphore_mem>>) attributes {dimension_semantics = [#tpu.dimension_semantics<core_parallel>, #tpu.dimension_semantics<subcore_parallel>], iteration_bounds = array<i64: 2, 16>, scalar_prefetch = 0 : i64, scratch_operands = 5 : i64, tpu.core_type = #tpu.core_type<sc_vector_subcore>, window_params = [{transform_indices = #map}, {transform_indices = #map}, {transform_indices = #map1}, {transform_indices = #map}, {transform_indices = #map1}]} {
    %mul3A = arith.constant 2 : i32
    %mul3A_0 = arith.muli %arg1, %mul3A : i32
    %add3A = arith.addi %mul3A_0, %arg0 : i32
    %mul3A_1 = arith.constant 3136 : i32
    %mul3A_2 = arith.muli %add3A, %mul3A_1 : i32
    %mul3A_3 = arith.constant 512 : i32
    %mul3A_4 = arith.muli %add3A, %mul3A_3 : i32
    "tpu.region"() ({
      %run_scoped3A = tpu.sem_alloc : memref<!tpu.dma_semaphore, #tpu.memory_space<semaphore_mem>>
      %dma_start3A_78 = tpu.memref_slice %arg3[%mul3A_4] : memref<16384xi32, #tpu.memory_space<hbm>> -> memref<512xi32, #tpu.memory_space<hbm>>
      %dma_start3A_79 = tpu.memref_slice %arg3[%mul3A_4] : memref<16384xi32, #tpu.memory_space<hbm>> -> memref<512xi32, #tpu.memory_space<hbm>>
      tpu.enqueue_dma source(%dma_start3A_79 : memref<512xi32, #tpu.memory_space<hbm>>) target(%arg9 : memref<512xi32, #tpu.memory_space<vmem>>) target_semaphore(%run_scoped3A : memref<!tpu.dma_semaphore, #tpu.memory_space<semaphore_mem>>)
      %dma_wait3A_80 = tpu.memref_slice %arg3[%mul3A_4] : memref<16384xi32, #tpu.memory_space<hbm>> -> memref<512xi32, #tpu.memory_space<hbm>>
      %dma_wait3A_81 = tpu.memref_slice %arg3[%mul3A_4] : memref<16384xi32, #tpu.memory_space<hbm>> -> memref<512xi32, #tpu.memory_space<hbm>>
      tpu.wait_dma2 semaphore(%run_scoped3A : memref<!tpu.dma_semaphore, #tpu.memory_space<semaphore_mem>>) src(%dma_wait3A_81 : memref<512xi32, #tpu.memory_space<hbm>>) dst(%arg9 : memref<512xi32, #tpu.memory_space<vmem>>)
      tpu.yield
    }) : () -> ()
    %dma_start3A = arith.constant 0 : i32
    %dma_start3A_5 = arith.constant 0 : i32
    %dma_start3A_6 = tpu.memref_slice %arg10[%dma_start3A, %dma_start3A_5] : memref<512x64xf32, #tpu.memory_space<vmem>> -> memref<128x64xf32, #tpu.memory_space<vmem>>
    %dma_start3A_7 = arith.constant 0 : i32
    %dma_start3A_8 = tpu.memref_slice %arg9[%dma_start3A_7] : memref<512xi32, #tpu.memory_space<vmem>> -> memref<128xi32, #tpu.memory_space<vmem>>
    %dma_start3A_9 = arith.constant 0 : i32
    %dma_start3A_10 = arith.constant 0 : i32
    %dma_start3A_11 = tpu.memref_slice %arg4[%dma_start3A_9, %dma_start3A_10] : memref<100000x64xf32, #tpu.memory_space<hbm>> -> memref<100000x64xf32, #tpu.memory_space<hbm>>
    tpu.enqueue_indirect_dma source(%dma_start3A_11 : memref<100000x64xf32, #tpu.memory_space<hbm>>) target(%dma_start3A_6 : memref<128x64xf32, #tpu.memory_space<vmem>>) offsets(%dma_start3A_8 : memref<128xi32, #tpu.memory_space<vmem>>) semaphore(%arg11 : memref<!tpu.dma_semaphore, #tpu.memory_space<semaphore_mem>>)
    %dma_start3A_12 = arith.constant 128 : i32
    %dma_start3A_13 = arith.constant 0 : i32
    %dma_start3A_14 = tpu.memref_slice %arg10[%dma_start3A_12, %dma_start3A_13] : memref<512x64xf32, #tpu.memory_space<vmem>> -> memref<128x64xf32, #tpu.memory_space<vmem>>
    %dma_start3A_15 = arith.constant 128 : i32
    %dma_start3A_16 = tpu.memref_slice %arg9[%dma_start3A_15] : memref<512xi32, #tpu.memory_space<vmem>> -> memref<128xi32, #tpu.memory_space<vmem>>
    %dma_start3A_17 = arith.constant 0 : i32
    %dma_start3A_18 = arith.constant 0 : i32
    %dma_start3A_19 = tpu.memref_slice %arg4[%dma_start3A_17, %dma_start3A_18] : memref<100000x64xf32, #tpu.memory_space<hbm>> -> memref<100000x64xf32, #tpu.memory_space<hbm>>
    tpu.enqueue_indirect_dma source(%dma_start3A_19 : memref<100000x64xf32, #tpu.memory_space<hbm>>) target(%dma_start3A_14 : memref<128x64xf32, #tpu.memory_space<vmem>>) offsets(%dma_start3A_16 : memref<128xi32, #tpu.memory_space<vmem>>) semaphore(%arg11 : memref<!tpu.dma_semaphore, #tpu.memory_space<semaphore_mem>>)
    %dma_start3A_20 = arith.constant 256 : i32
    %dma_start3A_21 = arith.constant 0 : i32
    %dma_start3A_22 = tpu.memref_slice %arg10[%dma_start3A_20, %dma_start3A_21] : memref<512x64xf32, #tpu.memory_space<vmem>> -> memref<128x64xf32, #tpu.memory_space<vmem>>
    %dma_start3A_23 = arith.constant 256 : i32
    %dma_start3A_24 = tpu.memref_slice %arg9[%dma_start3A_23] : memref<512xi32, #tpu.memory_space<vmem>> -> memref<128xi32, #tpu.memory_space<vmem>>
    %dma_start3A_25 = arith.constant 0 : i32
    %dma_start3A_26 = arith.constant 0 : i32
    %dma_start3A_27 = tpu.memref_slice %arg4[%dma_start3A_25, %dma_start3A_26] : memref<100000x64xf32, #tpu.memory_space<hbm>> -> memref<100000x64xf32, #tpu.memory_space<hbm>>
    tpu.enqueue_indirect_dma source(%dma_start3A_27 : memref<100000x64xf32, #tpu.memory_space<hbm>>) target(%dma_start3A_22 : memref<128x64xf32, #tpu.memory_space<vmem>>) offsets(%dma_start3A_24 : memref<128xi32, #tpu.memory_space<vmem>>) semaphore(%arg11 : memref<!tpu.dma_semaphore, #tpu.memory_space<semaphore_mem>>)
    %dma_start3A_28 = arith.constant 384 : i32
    %dma_start3A_29 = arith.constant 0 : i32
    %dma_start3A_30 = tpu.memref_slice %arg10[%dma_start3A_28, %dma_start3A_29] : memref<512x64xf32, #tpu.memory_space<vmem>> -> memref<128x64xf32, #tpu.memory_space<vmem>>
    %dma_start3A_31 = arith.constant 384 : i32
    %dma_start3A_32 = tpu.memref_slice %arg9[%dma_start3A_31] : memref<512xi32, #tpu.memory_space<vmem>> -> memref<128xi32, #tpu.memory_space<vmem>>
    %dma_start3A_33 = arith.constant 0 : i32
    %dma_start3A_34 = arith.constant 0 : i32
    %dma_start3A_35 = tpu.memref_slice %arg4[%dma_start3A_33, %dma_start3A_34] : memref<100000x64xf32, #tpu.memory_space<hbm>> -> memref<100000x64xf32, #tpu.memory_space<hbm>>
    tpu.enqueue_indirect_dma source(%dma_start3A_35 : memref<100000x64xf32, #tpu.memory_space<hbm>>) target(%dma_start3A_30 : memref<128x64xf32, #tpu.memory_space<vmem>>) offsets(%dma_start3A_32 : memref<128xi32, #tpu.memory_space<vmem>>) semaphore(%arg11 : memref<!tpu.dma_semaphore, #tpu.memory_space<semaphore_mem>>)
    %scan3A = arith.constant 0 : i32
    %scan3A_36 = arith.constant 0 : i32
    %scan3A_37 = arith.constant 196 : i32
    %scan3A_38 = arith.addi %scan3A_36, %scan3A_37 : i32
    %scan3A_39 = arith.constant 1 : i32
    scf.for %scan3A_78 = %scan3A_36 to %scan3A_38 step %scan3A_39  : i32 {
      %broadcast_in_dim3A = arith.constant -1 : i32
      %broadcast_in_dim3A_79 = vector.broadcast %broadcast_in_dim3A : i32 to vector<16xi32>
      %mul3A_80 = arith.constant 16 : i32
      %mul3A_81 = arith.muli %scan3A_78, %mul3A_80 : i32
      %swap3A = arith.index_cast %mul3A_81 : i32 to index
      %swap3A_82 = tpu.vector_load %arg8[%swap3A] {strides = array<i32>} : memref<3136xi32, #tpu.memory_space<vmem>>, vector<16xi32>,
      tpu.vector_store %arg8[%swap3A], %broadcast_in_dim3A_79 {strides = array<i32>} : memref<3136xi32, #tpu.memory_space<vmem>>, vector<16xi32>,
    }
    %scan3A_40 = arith.constant 196 : i32
    "tpu.region"() ({
      %run_scoped3A = tpu.sem_alloc : memref<!tpu.dma_semaphore, #tpu.memory_space<semaphore_mem>>
      tpu.enqueue_dma source(%arg2 : memref<16384xi32, #tpu.memory_space<hbm>>) target(%arg7 : memref<16384xi32, #tpu.memory_space<vmem>>) target_semaphore(%run_scoped3A : memref<!tpu.dma_semaphore, #tpu.memory_space<semaphore_mem>>)
      tpu.wait_dma2 semaphore(%run_scoped3A : memref<!tpu.dma_semaphore, #tpu.memory_space<semaphore_mem>>) src(%arg2 : memref<16384xi32, #tpu.memory_space<hbm>>) dst(%arg7 : memref<16384xi32, #tpu.memory_space<vmem>>)
      tpu.yield
    }) : () -> ()
    %iota3A = tpu.iota {dimensions = array<i32: 0>} : vector<16xi32>
    %scan3A_41 = arith.constant 0 : i32
    %scan3A_42 = arith.constant 0 : i32
    %scan3A_43 = arith.constant 512 : i32
    %scan3A_44 = arith.addi %scan3A_42, %scan3A_43 : i32
    %scan3A_45 = arith.constant 1 : i32
    scf.for %scan3A_78 = %scan3A_42 to %scan3A_44 step %scan3A_45  : i32 {
      %mul3A_79 = arith.constant 2 : i32
      %mul3A_80 = arith.muli %scan3A_78, %mul3A_79 : i32
      %add3A_81 = arith.constant 0 : i32
      %add3A_82 = arith.addi %mul3A_80, %add3A_81 : i32
      %mul3A_83 = arith.constant 16 : i32
      %mul3A_84 = arith.muli %add3A_82, %mul3A_83 : i32
      %get3A = arith.index_cast %mul3A_84 : i32 to index
      %get3A_85 = tpu.vector_load %arg7[%get3A] {strides = array<i32>} : memref<16384xi32, #tpu.memory_space<vmem>>, vector<16xi32>,
      %sub3A = vector.broadcast %mul3A_2 : i32 to vector<16xi32>
      %sub3A_86 = arith.subi %get3A_85, %sub3A : vector<16xi32>
      %bitcast3A = vector.bitcast %sub3A_86 : vector<16xi32> to vector<16xi32>
      %lt3A = arith.constant 3136 : i32
      %lt3A_87 = vector.broadcast %lt3A : i32 to vector<16xi32>
      %lt3A_88 = arith.cmpi ult, %bitcast3A, %lt3A_87 : vector<16xi32>
      %jit3A = arith.constant 0 : i32
      %jit3A_89 = arith.constant 3135 : i32
      %max3A = vector.broadcast %jit3A : i32 to vector<16xi32>
      %max3A_90 = arith.maxsi %max3A, %sub3A_86 : vector<16xi32>
      %min3A = vector.broadcast %jit3A_89 : i32 to vector<16xi32>
      %min3A_91 = arith.minsi %min3A, %max3A_90 : vector<16xi32>
      %mul3A_92 = arith.constant 16 : i32
      %mul3A_93 = arith.muli %add3A_82, %mul3A_92 : i32
      %add3A_94 = vector.broadcast %mul3A_93 : i32 to vector<16xi32>
      %add3A_95 = arith.addi %iota3A, %add3A_94 : vector<16xi32>
      tpu.vector_store_idx %arg8[%min3A_91], %add3A_95 masked %lt3A_88 : memref<3136xi32, #tpu.memory_space<vmem>>[vector<16xi32>], vector<16xi32>, vector<16xi1>
      %gather3A = tpu.vector_load_idx %arg8[%min3A_91] masked %lt3A_88 : memref<3136xi32, #tpu.memory_space<vmem>>[vector<16xi32>], vector<16xi32>, vector<16xi1>
      %gt3A = arith.cmpi sgt, %add3A_95, %gather3A : vector<16xi32>
      %and3A = arith.andi %lt3A_88, %gt3A : vector<16xi1>
      tpu.vector_store_idx %arg8[%min3A_91], %add3A_95 masked %and3A : memref<3136xi32, #tpu.memory_space<vmem>>[vector<16xi32>], vector<16xi32>, vector<16xi1>
      %mul3A_96 = arith.constant 2 : i32
      %mul3A_97 = arith.muli %scan3A_78, %mul3A_96 : i32
      %add3A_98 = arith.constant 1 : i32
      %add3A_99 = arith.addi %mul3A_97, %add3A_98 : i32
      %mul3A_100 = arith.constant 16 : i32
      %mul3A_101 = arith.muli %add3A_99, %mul3A_100 : i32
      %get3A_102 = arith.index_cast %mul3A_101 : i32 to index
      %get3A_103 = tpu.vector_load %arg7[%get3A_102] {strides = array<i32>} : memref<16384xi32, #tpu.memory_space<vmem>>, vector<16xi32>,
      %sub3A_104 = vector.broadcast %mul3A_2 : i32 to vector<16xi32>
      %sub3A_105 = arith.subi %get3A_103, %sub3A_104 : vector<16xi32>
      %bitcast3A_106 = vector.bitcast %sub3A_105 : vector<16xi32> to vector<16xi32>
      %lt3A_107 = arith.constant 3136 : i32
      %lt3A_108 = vector.broadcast %lt3A_107 : i32 to vector<16xi32>
      %lt3A_109 = arith.cmpi ult, %bitcast3A_106, %lt3A_108 : vector<16xi32>
      %jit3A_110 = arith.constant 0 : i32
      %jit3A_111 = arith.constant 3135 : i32
      %max3A_112 = vector.broadcast %jit3A_110 : i32 to vector<16xi32>
      %max3A_113 = arith.maxsi %max3A_112, %sub3A_105 : vector<16xi32>
      %min3A_114 = vector.broadcast %jit3A_111 : i32 to vector<16xi32>
      %min3A_115 = arith.minsi %min3A_114, %max3A_113 : vector<16xi32>
      %mul3A_116 = arith.constant 16 : i32
      %mul3A_117 = arith.muli %add3A_99, %mul3A_116 : i32
      %add3A_118 = vector.broadcast %mul3A_117 : i32 to vector<16xi32>
      %add3A_119 = arith.addi %iota3A, %add3A_118 : vector<16xi32>
      tpu.vector_store_idx %arg8[%min3A_115], %add3A_119 masked %lt3A_109 : memref<3136xi32, #tpu.memory_space<vmem>>[vector<16xi32>], vector<16xi32>, vector<16xi1>
      %gather3A_120 = tpu.vector_load_idx %arg8[%min3A_115] masked %lt3A_109 : memref<3136xi32, #tpu.memory_space<vmem>>[vector<16xi32>], vector<16xi32>, vector<16xi1>
      %gt3A_121 = arith.cmpi sgt, %add3A_119, %gather3A_120 : vector<16xi32>
      %and3A_122 = arith.andi %lt3A_109, %gt3A_121 : vector<16xi1>
      tpu.vector_store_idx %arg8[%min3A_115], %add3A_119 masked %and3A_122 : memref<3136xi32, #tpu.memory_space<vmem>>[vector<16xi32>], vector<16xi32>, vector<16xi1>
    }
    %scan3A_46 = arith.constant 512 : i32
    "tpu.region"() ({
      %run_scoped3A = tpu.sem_alloc : memref<!tpu.dma_semaphore, #tpu.memory_space<semaphore_mem>>
      %dma_start3A_78 = tpu.memref_slice %arg5[%mul3A_2] : memref<100352xi32, #tpu.memory_space<hbm>> -> memref<3136xi32, #tpu.memory_space<hbm>>
      %dma_start3A_79 = tpu.memref_slice %arg5[%mul3A_2] : memref<100352xi32, #tpu.memory_space<hbm>> -> memref<3136xi32, #tpu.memory_space<hbm>>
      tpu.enqueue_dma source(%arg8 : memref<3136xi32, #tpu.memory_space<vmem>>) target(%dma_start3A_79 : memref<3136xi32, #tpu.memory_space<hbm>>) target_semaphore(%run_scoped3A : memref<!tpu.dma_semaphore, #tpu.memory_space<semaphore_mem>>)
      %dma_wait3A_80 = tpu.memref_slice %arg5[%mul3A_2] : memref<100352xi32, #tpu.memory_space<hbm>> -> memref<3136xi32, #tpu.memory_space<hbm>>
      %dma_wait3A_81 = tpu.memref_slice %arg5[%mul3A_2] : memref<100352xi32, #tpu.memory_space<hbm>> -> memref<3136xi32, #tpu.memory_space<hbm>>
      tpu.wait_dma2 semaphore(%run_scoped3A : memref<!tpu.dma_semaphore, #tpu.memory_space<semaphore_mem>>) src(%arg8 : memref<3136xi32, #tpu.memory_space<vmem>>) dst(%dma_wait3A_81 : memref<3136xi32, #tpu.memory_space<hbm>>)
      tpu.yield
    }) : () -> ()
    %dma_wait3A = arith.constant 0 : i32
    %dma_wait3A_47 = arith.constant 0 : i32
    %dma_wait3A_48 = tpu.memref_slice %arg10[%dma_wait3A, %dma_wait3A_47] : memref<512x64xf32, #tpu.memory_space<vmem>> -> memref<128x64xf32, #tpu.memory_space<vmem>>
    %dma_wait3A_49 = arith.constant 0 : i32
    %dma_wait3A_50 = tpu.memref_slice %arg9[%dma_wait3A_49] : memref<512xi32, #tpu.memory_space<vmem>> -> memref<128xi32, #tpu.memory_space<vmem>>
    %dma_wait3A_51 = arith.constant 0 : i32
    %dma_wait3A_52 = arith.constant 0 : i32
    %dma_wait3A_53 = tpu.memref_slice %arg4[%dma_wait3A_51, %dma_wait3A_52] : memref<100000x64xf32, #tpu.memory_space<hbm>> -> memref<100000x64xf32, #tpu.memory_space<hbm>>
    tpu.wait_indirect_dma semaphore(%arg11 : memref<!tpu.dma_semaphore, #tpu.memory_space<semaphore_mem>>) src(%dma_wait3A_53 : memref<100000x64xf32, #tpu.memory_space<hbm>>) dst(%dma_wait3A_48 : memref<128x64xf32, #tpu.memory_space<vmem>>)
    %dma_wait3A_54 = arith.constant 128 : i32
    %dma_wait3A_55 = arith.constant 0 : i32
    %dma_wait3A_56 = tpu.memref_slice %arg10[%dma_wait3A_54, %dma_wait3A_55] : memref<512x64xf32, #tpu.memory_space<vmem>> -> memref<128x64xf32, #tpu.memory_space<vmem>>
    %dma_wait3A_57 = arith.constant 128 : i32
    %dma_wait3A_58 = tpu.memref_slice %arg9[%dma_wait3A_57] : memref<512xi32, #tpu.memory_space<vmem>> -> memref<128xi32, #tpu.memory_space<vmem>>
    %dma_wait3A_59 = arith.constant 0 : i32
    %dma_wait3A_60 = arith.constant 0 : i32
    %dma_wait3A_61 = tpu.memref_slice %arg4[%dma_wait3A_59, %dma_wait3A_60] : memref<100000x64xf32, #tpu.memory_space<hbm>> -> memref<100000x64xf32, #tpu.memory_space<hbm>>
    tpu.wait_indirect_dma semaphore(%arg11 : memref<!tpu.dma_semaphore, #tpu.memory_space<semaphore_mem>>) src(%dma_wait3A_61 : memref<100000x64xf32, #tpu.memory_space<hbm>>) dst(%dma_wait3A_56 : memref<128x64xf32, #tpu.memory_space<vmem>>)
    %dma_wait3A_62 = arith.constant 256 : i32
    %dma_wait3A_63 = arith.constant 0 : i32
    %dma_wait3A_64 = tpu.memref_slice %arg10[%dma_wait3A_62, %dma_wait3A_63] : memref<512x64xf32, #tpu.memory_space<vmem>> -> memref<128x64xf32, #tpu.memory_space<vmem>>
    %dma_wait3A_65 = arith.constant 256 : i32
    %dma_wait3A_66 = tpu.memref_slice %arg9[%dma_wait3A_65] : memref<512xi32, #tpu.memory_space<vmem>> -> memref<128xi32, #tpu.memory_space<vmem>>
    %dma_wait3A_67 = arith.constant 0 : i32
    %dma_wait3A_68 = arith.constant 0 : i32
    %dma_wait3A_69 = tpu.memref_slice %arg4[%dma_wait3A_67, %dma_wait3A_68] : memref<100000x64xf32, #tpu.memory_space<hbm>> -> memref<100000x64xf32, #tpu.memory_space<hbm>>
    tpu.wait_indirect_dma semaphore(%arg11 : memref<!tpu.dma_semaphore, #tpu.memory_space<semaphore_mem>>) src(%dma_wait3A_69 : memref<100000x64xf32, #tpu.memory_space<hbm>>) dst(%dma_wait3A_64 : memref<128x64xf32, #tpu.memory_space<vmem>>)
    %dma_wait3A_70 = arith.constant 384 : i32
    %dma_wait3A_71 = arith.constant 0 : i32
    %dma_wait3A_72 = tpu.memref_slice %arg10[%dma_wait3A_70, %dma_wait3A_71] : memref<512x64xf32, #tpu.memory_space<vmem>> -> memref<128x64xf32, #tpu.memory_space<vmem>>
    %dma_wait3A_73 = arith.constant 384 : i32
    %dma_wait3A_74 = tpu.memref_slice %arg9[%dma_wait3A_73] : memref<512xi32, #tpu.memory_space<vmem>> -> memref<128xi32, #tpu.memory_space<vmem>>
    %dma_wait3A_75 = arith.constant 0 : i32
    %dma_wait3A_76 = arith.constant 0 : i32
    %dma_wait3A_77 = tpu.memref_slice %arg4[%dma_wait3A_75, %dma_wait3A_76] : memref<100000x64xf32, #tpu.memory_space<hbm>> -> memref<100000x64xf32, #tpu.memory_space<hbm>>
    tpu.wait_indirect_dma semaphore(%arg11 : memref<!tpu.dma_semaphore, #tpu.memory_space<semaphore_mem>>) src(%dma_wait3A_77 : memref<100000x64xf32, #tpu.memory_space<hbm>>) dst(%dma_wait3A_72 : memref<128x64xf32, #tpu.memory_space<vmem>>)
    "tpu.region"() ({
      %run_scoped3A = tpu.sem_alloc : memref<!tpu.dma_semaphore, #tpu.memory_space<semaphore_mem>>
      %dma_start3A_78 = arith.constant 0 : i32
      %dma_start3A_79 = tpu.memref_slice %arg6[%mul3A_4, %dma_start3A_78] : memref<16384x64xf32, #tpu.memory_space<hbm>> -> memref<512x64xf32, #tpu.memory_space<hbm>>
      %dma_start3A_80 = arith.constant 0 : i32
      %dma_start3A_81 = tpu.memref_slice %arg6[%mul3A_4, %dma_start3A_80] : memref<16384x64xf32, #tpu.memory_space<hbm>> -> memref<512x64xf32, #tpu.memory_space<hbm>>
      tpu.enqueue_dma source(%arg10 : memref<512x64xf32, #tpu.memory_space<vmem>>) target(%dma_start3A_81 : memref<512x64xf32, #tpu.memory_space<hbm>>) target_semaphore(%run_scoped3A : memref<!tpu.dma_semaphore, #tpu.memory_space<semaphore_mem>>)
      %dma_wait3A_82 = arith.constant 0 : i32
      %dma_wait3A_83 = tpu.memref_slice %arg6[%mul3A_4, %dma_wait3A_82] : memref<16384x64xf32, #tpu.memory_space<hbm>> -> memref<512x64xf32, #tpu.memory_space<hbm>>
      %dma_wait3A_84 = arith.constant 0 : i32
      %dma_wait3A_85 = tpu.memref_slice %arg6[%mul3A_4, %dma_wait3A_84] : memref<16384x64xf32, #tpu.memory_space<hbm>> -> memref<512x64xf32, #tpu.memory_space<hbm>>
      tpu.wait_dma2 semaphore(%run_scoped3A : memref<!tpu.dma_semaphore, #tpu.memory_space<semaphore_mem>>) src(%arg10 : memref<512x64xf32, #tpu.memory_space<vmem>>) dst(%dma_wait3A_85 : memref<512x64xf32, #tpu.memory_space<hbm>>)
      tpu.yield
    }) : () -> ()
    return
  }
}

module attributes {stable_mosaic.version = 14 : i64} {
  func.func @_math_body(%arg0: i32, %arg1: memref<2048x64xf32, #tpu.memory_space<vmem>>, %arg2: memref<2048x64xf32, #tpu.memory_space<vmem>>, %arg3: memref<2048x64xf32, #tpu.memory_space<vmem>>, %arg4: memref<2048x1xi32, #tpu.memory_space<vmem>>, %arg5: memref<2048x64xf32, #tpu.memory_space<vmem>>) attributes {dimension_semantics = [#tpu.dimension_semantics<arbitrary>], iteration_bounds = array<i64: 8>, scalar_prefetch = 0 : i64, scratch_operands = 0 : i64, tpu.core_type = #tpu.core_type<tc>, window_params = [{transform_indices = @transform_0, window_bounds = array<i64: 2048, 64>}, {transform_indices = @transform_1, window_bounds = array<i64: 2048, 64>}, {transform_indices = @transform_2, window_bounds = array<i64: 2048, 64>}, {transform_indices = @transform_3, window_bounds = array<i64: 2048, 1>}, {transform_indices = @transform_4, window_bounds = array<i64: 2048, 64>}]} {
    %get3A = arith.constant 0 : index
    %get3A_0 = arith.constant 0 : index
    %get3A_1 = vector.load %arg4[%get3A, %get3A_0] : memref<2048x1xi32, #tpu.memory_space<vmem>>, vector<2048x1xi32>
    %ge3A = arith.constant 0 : i32
    %ge3A_2 = vector.broadcast %ge3A : i32 to vector<2048x1xi32>
    %ge3A_3 = arith.cmpi sge, %get3A_1, %ge3A_2 : vector<2048x1xi32>
    %get3A_4 = arith.constant 0 : index
    %get3A_5 = arith.constant 0 : index
    %get3A_6 = vector.load %arg3[%get3A_4, %get3A_5] : memref<2048x64xf32, #tpu.memory_space<vmem>>, vector<2048x64xf32>
    %get3A_7 = arith.constant 0 : index
    %get3A_8 = arith.constant 0 : index
    %get3A_9 = vector.load %arg2[%get3A_7, %get3A_8] : memref<2048x64xf32, #tpu.memory_space<vmem>>, vector<2048x64xf32>
    %broadcast_in_dim3A = vector.shape_cast %ge3A_3 : vector<2048x1xi1> to vector<2048x1xi1>
    %broadcast_in_dim3A_10 = vector.broadcast %broadcast_in_dim3A : vector<2048x1xi1> to vector<2048x64xi1>
    %select_n3A = arith.select %broadcast_in_dim3A_10, %get3A_6, %get3A_9 : vector<2048x64xi1>, vector<2048x64xf32>
    %get3A_11 = arith.constant 0 : index
    %get3A_12 = arith.constant 0 : index
    %get3A_13 = vector.load %arg1[%get3A_11, %get3A_12] : memref<2048x64xf32, #tpu.memory_space<vmem>>, vector<2048x64xf32>
    %mul3A = arith.mulf %get3A_13, %get3A_13 : vector<2048x64xf32>
    %reduce_sum3A = arith.constant dense<0.000000e+00> : vector<2048xf32>
    %reduce_sum3A_14 = vector.multi_reduction <add>, %mul3A, %reduce_sum3A [1] : vector<2048x64xf32> to vector<2048xf32>
    %broadcast_in_dim3A_15 = vector.shape_cast %reduce_sum3A_14 : vector<2048xf32> to vector<2048x1xf32>
    %sqrt3A = math.sqrt %broadcast_in_dim3A_15 : vector<2048x1xf32>
    %tanh3A = math.tanh %sqrt3A : vector<2048x1xf32>
    %add3A = arith.constant 9.99999997E-7 : f32
    %add3A_16 = vector.broadcast %add3A : f32 to vector<2048x1xf32>
    %add3A_17 = arith.addf %sqrt3A, %add3A_16 : vector<2048x1xf32>
    %div3A = arith.divf %tanh3A, %add3A_17 : vector<2048x1xf32>
    %mul3A_18 = vector.broadcast %div3A : vector<2048x1xf32> to vector<2048x64xf32>
    %mul3A_19 = arith.mulf %get3A_13, %mul3A_18 : vector<2048x64xf32>
    %mul3A_20 = arith.mulf %select_n3A, %select_n3A : vector<2048x64xf32>
    %reduce_sum3A_21 = arith.constant dense<0.000000e+00> : vector<2048xf32>
    %reduce_sum3A_22 = vector.multi_reduction <add>, %mul3A_20, %reduce_sum3A_21 [1] : vector<2048x64xf32> to vector<2048xf32>
    %broadcast_in_dim3A_23 = vector.shape_cast %reduce_sum3A_22 : vector<2048xf32> to vector<2048x1xf32>
    %sqrt3A_24 = math.sqrt %broadcast_in_dim3A_23 : vector<2048x1xf32>
    %tanh3A_25 = math.tanh %sqrt3A_24 : vector<2048x1xf32>
    %add3A_26 = arith.constant 9.99999997E-7 : f32
    %add3A_27 = vector.broadcast %add3A_26 : f32 to vector<2048x1xf32>
    %add3A_28 = arith.addf %sqrt3A_24, %add3A_27 : vector<2048x1xf32>
    %div3A_29 = arith.divf %tanh3A_25, %add3A_28 : vector<2048x1xf32>
    %mul3A_30 = vector.broadcast %div3A_29 : vector<2048x1xf32> to vector<2048x64xf32>
    %mul3A_31 = arith.mulf %select_n3A, %mul3A_30 : vector<2048x64xf32>
    %mul3A_32 = arith.mulf %mul3A_19, %mul3A_19 : vector<2048x64xf32>
    %reduce_sum3A_33 = arith.constant dense<0.000000e+00> : vector<2048xf32>
    %reduce_sum3A_34 = vector.multi_reduction <add>, %mul3A_32, %reduce_sum3A_33 [1] : vector<2048x64xf32> to vector<2048xf32>
    %broadcast_in_dim3A_35 = vector.shape_cast %reduce_sum3A_34 : vector<2048xf32> to vector<2048x1xf32>
    %mul3A_36 = arith.mulf %mul3A_31, %mul3A_31 : vector<2048x64xf32>
    %reduce_sum3A_37 = arith.constant dense<0.000000e+00> : vector<2048xf32>
    %reduce_sum3A_38 = vector.multi_reduction <add>, %mul3A_36, %reduce_sum3A_37 [1] : vector<2048x64xf32> to vector<2048xf32>
    %broadcast_in_dim3A_39 = vector.shape_cast %reduce_sum3A_38 : vector<2048xf32> to vector<2048x1xf32>
    %sub3A = arith.subf %mul3A_19, %mul3A_31 : vector<2048x64xf32>
    %integer_pow3A = arith.mulf %sub3A, %sub3A : vector<2048x64xf32>
    %reduce_sum3A_40 = arith.constant dense<0.000000e+00> : vector<2048xf32>
    %reduce_sum3A_41 = vector.multi_reduction <add>, %integer_pow3A, %reduce_sum3A_40 [1] : vector<2048x64xf32> to vector<2048xf32>
    %broadcast_in_dim3A_42 = vector.shape_cast %reduce_sum3A_41 : vector<2048xf32> to vector<2048x1xf32>
    %sub3A_43 = arith.constant 1.000000e+00 : f32
    %sub3A_44 = vector.broadcast %sub3A_43 : f32 to vector<2048x1xf32>
    %sub3A_45 = arith.subf %sub3A_44, %broadcast_in_dim3A_35 : vector<2048x1xf32>
    %sub3A_46 = arith.constant 1.000000e+00 : f32
    %sub3A_47 = vector.broadcast %sub3A_46 : f32 to vector<2048x1xf32>
    %sub3A_48 = arith.subf %sub3A_47, %broadcast_in_dim3A_39 : vector<2048x1xf32>
    %mul3A_49 = arith.mulf %sub3A_45, %sub3A_48 : vector<2048x1xf32>
    %max3A = arith.constant 9.99999971E-10 : f32
    %max3A_50 = vector.broadcast %max3A : f32 to vector<2048x1xf32>
    %max3A_51 = arith.maximumf %mul3A_49, %max3A_50 : vector<2048x1xf32>
    %mul3A_52 = arith.constant 2.000000e+00 : f32
    %mul3A_53 = vector.broadcast %mul3A_52 : f32 to vector<2048x1xf32>
    %mul3A_54 = arith.mulf %mul3A_53, %broadcast_in_dim3A_42 : vector<2048x1xf32>
    %div3A_55 = arith.divf %mul3A_54, %max3A_51 : vector<2048x1xf32>
    %max3A_56 = arith.constant 9.99999997E-7 : f32
    %max3A_57 = vector.broadcast %max3A_56 : f32 to vector<2048x1xf32>
    %max3A_58 = arith.maximumf %div3A_55, %max3A_57 : vector<2048x1xf32>
    %add3A_59 = arith.constant 2.000000e+00 : f32
    %add3A_60 = vector.broadcast %add3A_59 : f32 to vector<2048x1xf32>
    %add3A_61 = arith.addf %max3A_58, %add3A_60 : vector<2048x1xf32>
    %mul3A_62 = arith.mulf %max3A_58, %add3A_61 : vector<2048x1xf32>
    %sqrt3A_63 = math.sqrt %mul3A_62 : vector<2048x1xf32>
    %add3A_64 = arith.addf %max3A_58, %sqrt3A_63 : vector<2048x1xf32>
    %log1p3A = math.log1p %add3A_64 : vector<2048x1xf32>
    %sqrt3A_65 = math.sqrt %broadcast_in_dim3A_39 : vector<2048x1xf32>
    %sub3A_66 = arith.constant 1.000000e+00 : f32
    %sub3A_67 = vector.broadcast %sub3A_66 : f32 to vector<2048x1xf32>
    %sub3A_68 = arith.subf %sub3A_67, %sqrt3A_65 : vector<2048x1xf32>
    %sub3A_69 = arith.constant 1.000000e+00 : f32
    %sub3A_70 = vector.broadcast %sub3A_69 : f32 to vector<2048x1xf32>
    %sub3A_71 = arith.subf %sub3A_70, %sub3A_68 : vector<2048x1xf32>
    %mul3A_72 = arith.mulf %sqrt3A_65, %sub3A_71 : vector<2048x1xf32>
    %add3A_73 = arith.addf %log1p3A, %mul3A_72 : vector<2048x1xf32>
    %neg3A = arith.constant 0.000000e+00 : f32
    %neg3A_74 = vector.broadcast %neg3A : f32 to vector<2048x1xf32>
    %neg3A_75 = arith.subf %neg3A_74, %add3A_73 : vector<2048x1xf32>
    %logistic3A = arith.negf %neg3A_75 : vector<2048x1xf32>
    %logistic3A_76 = math.exp %logistic3A : vector<2048x1xf32>
    %logistic3A_77 = arith.constant 1.000000e+00 : f32
    %logistic3A_78 = vector.broadcast %logistic3A_77 : f32 to vector<2048x1xf32>
    %logistic3A_79 = arith.addf %logistic3A_78, %logistic3A_76 : vector<2048x1xf32>
    %logistic3A_80 = arith.divf %logistic3A_78, %logistic3A_79 : vector<2048x1xf32>
    %mul3A_81 = vector.broadcast %logistic3A_80 : vector<2048x1xf32> to vector<2048x64xf32>
    %mul3A_82 = arith.mulf %mul3A_31, %mul3A_81 : vector<2048x64xf32>
    %swap3A = arith.constant 0 : index
    %swap3A_83 = arith.constant 0 : index
    %swap3A_84 = vector.load %arg5[%swap3A, %swap3A_83] : memref<2048x64xf32, #tpu.memory_space<vmem>>, vector<2048x64xf32>
    tpu.vector_store %arg5[%swap3A, %swap3A_83], %mul3A_82 {strides = array<i32>} : memref<2048x64xf32, #tpu.memory_space<vmem>>, vector<2048x64xf32>,
    return
  }
  func.func @transform_0(%arg0: i32) -> (i32, i32) {
    %c0_i32 = arith.constant 0 : i32
    %c0_i32_0 = arith.constant 0 : i32
    return %arg0, %c0_i32 : i32, i32
  }
  func.func @transform_1(%arg0: i32) -> (i32, i32) {
    %c0_i32 = arith.constant 0 : i32
    %c0_i32_0 = arith.constant 0 : i32
    return %arg0, %c0_i32 : i32, i32
  }
  func.func @transform_2(%arg0: i32) -> (i32, i32) {
    %c0_i32 = arith.constant 0 : i32
    %c0_i32_0 = arith.constant 0 : i32
    return %arg0, %c0_i32 : i32, i32
  }
  func.func @transform_3(%arg0: i32) -> (i32, i32) {
    %c0_i32 = arith.constant 0 : i32
    %c0_i32_0 = arith.constant 0 : i32
    return %arg0, %c0_i32 : i32, i32
  }
  func.func @transform_4(%arg0: i32) -> (i32, i32) {
    %c0_i32 = arith.constant 0 : i32
    %c0_i32_0 = arith.constant 0 : i32
    return %arg0, %c0_i32 : i32, i32
  }
}

</mosaic_0001>

<sc_bundles>
// kernel: kernel.5.cloned.1.call-start
scs
__scs_entry_jumppad:
0x0: {  	(pc) =	sbr.rel $0x88, $3  }
0x1: {  	(tag) =	ssettag $0x0;
	lr =	simm.s32 $0x1  }
0x2: {  	[smem:$0x3F9D] =	sst lr;
	_ =	strace $0xD0000000  }
0x3: {  	_ = 	snop  }
0x4: {  	_ = 	snop  }
0x5: {  	_ = 	snop  }
0x6: {  	_ = 	snop  }
0x7: {  	_ = 	snop  }
__scs_overlays_trampoline_lowered:
0x8: {  	[smem:$0x3FAC] =	sst s0  }
0x9: {  	[smem:$0x3FAD] =	sst s1  }
0xa: {  	[smem:$0x3FAE] =	sst s2  }
0xb: {  	[smem:$0x3FAF] =	sst s3  }
0xc: {  	[smem:$0x3FB0] =	sst s4  }
0xd: {  	[smem:$0x3FB1] =	sst s5  }
0xe: {  	[smem:$0x3FB2] =	sst s6  }
0xf: {  	[smem:$0x3FB3] =	sst s7  }
0x10: {  	[smem:$0x3FB4] =	sst s8  }
0x11: {  	[smem:$0x3FB5] =	sst s9;
	s0 =	simm.s32 @!p0 $0x0  }
0x12: {  	s1 =	sld [smem:$0x3F9B];
	s0 =	simm.s32 @p0 $0x1  }
0x13: {  	[smem:$0x3FB6] =	sst s0;
	s0 =	simm.s32 @!p1 $0x0  }
0x14: {  	s2 =	sld [smem:$0x3F9A];
	s0 =	simm.s32 @p1 $0x1  }
0x15: {  	[smem:$0x3FB7] =	sst s0;
	s0 =	simm.s32 @!p2 $0x0  }
0x16: {  	s3 =	sld [smem:$0x3FDB];
	s0 =	simm.s32 @p2 $0x1  }
0x17: {  	s4 =	simm.s32 $0x1BF5;
	[smem:$0x3FB9] =	sst s0  }
0x18: {  	s0 =	sld [smem:$0x3F9C];
	_ =	swait.ge [sflag:s4], $0x0  }
0x19: {  	s7 =	sld [smem:$0x3F9D]  }
0x1a: {  	s8 =	sadd.s32 $0xFFFFE003, lr  }
0x1b: {  	s9 =	sadd.s32 $0xFFFFFEF7, lr;
	s5 =	simm.s32 $0xFFFFFFFF;
	p2 =	slt.u32 s8, $0xFFFFF086  }
0x1c: {  	p1 =	slt.u32 s9, $0xF7A;
	s5 =	simm.s32 @!p2 $0x0  }
0x1d: {  	s5 =	simm.s32 @p1 $0x1;
	p0 =	seq.s32 s7, s2  }
0x1e: {  	s7 =	smul.u32 @!p0 $0xF7A, s2;
	p2 =	seq.s32 @!p0 s5, $0x0  }
0x1f: {  	s9 =	smul.u32 $0xF7A, s1;
	s8 =	simm.s32 @!p0 $0x1BF5;
	p2 =	por !p2, p0  }
0x20: {  	[sflag:s8] =	ssyncset.s32 @!p0 $0xFFFFF086;
	s6 =	sadd.s32 @!p0 s3, s7;
	s7 =	simm.s32 @!p0 $0x108  }
0x21: {  	s3 =	sadd.s32 s3, s9;
	s6 =	sadd.s32 @!p0 $0x88, s6;
	s7 =	simm.s32 @p2 $0x1082  }
0x22: {  	[simem:s7], [sflag:s8] =	dma.local @!p0 [hbm:s6], $0xF7A  }
0x23: {  	s9 =	sor.u32 $0xD0000000, s2;
	s6 =	simm.s32 $0x108;
	_ =	swait.ge @!p0 [sflag:s8], $0x0  }
0x24: {  	s3 =	sadd.s32 $0x88, s3;
	s6 =	simm.s32 @!p1 $0x1082;
	[sflag:s4] =	ssyncset.s32 $0xFFFFF086  }
0x25: {  	[simem:s6], [sflag:s4] =	dma.local [hbm:s3], $0xF7A  }
0x26: {  	[smem:$0x3F9D] =	sst s1;
	(tag) =	ssettag s2;
	_ =	strace s9  }
0x27: {  	s1 =	sld [smem:$0x3FAD]  }
0x28: {  	s2 =	sld [smem:$0x3FAE]  }
0x29: {  	s4 =	sld [smem:$0x3FB0]  }
0x2a: {  	p0 =	seq.s32 s5, $0x0;
	s5 =	sld [smem:$0x3FB1]  }
0x2b: {  	s6 =	sld [smem:$0x3FB2]  }
0x2c: {  	s7 =	sld [smem:$0x3FB3]  }
0x2d: {  	s3 =	simm.s32 $0x108;
	s8 =	sld [smem:$0x3FB4]  }
0x2e: {  	s3 =	simm.s32 @!p0 $0x1082;
	s9 =	sld [smem:$0x3FB5]  }
0x2f: {  	lr =	sadd.s32 s0, s3;
	s0 =	sld [smem:$0x3FAC]  }
0x30: {  	s3 =	sld [smem:$0x3FAF]  }
0x31: {  	[smem:$0x3FB8] =	sst s10  }
0x32: {  	s10 =	sld [smem:$0x3FB6];
	_ =	sdelay $0x3  }
0x33: {  	p0 =	seq.s32 s10, $0x1;
	s10 =	sld [smem:$0x3FB8];
	_ =	sdelay $0x3  }
0x34: {  	[smem:$0x3FB8] =	sst s10  }
0x35: {  	s10 =	sld [smem:$0x3FB7];
	_ =	sdelay $0x3  }
0x36: {  	p1 =	seq.s32 s10, $0x1;
	s10 =	sld [smem:$0x3FB8];
	_ =	sdelay $0x3  }
0x37: {  	[smem:$0x3FB8] =	sst s10  }
0x38: {  	s10 =	sld [smem:$0x3FB9]  }
0x39: {  	_ = 	snop;
	(pc) =	sbr.ind lr, $3  }
0x3a: {  	_ = 	snop  }
0x3b: {  	_ = 	snop  }
0x3c: {  	p2 =	seq.s32 s10, $0x1;
	s10 =	sld [smem:$0x3FB8]  }
0x3d: {  	_ =	shalt  }
0x3e: {  	_ =	shalt  }
0x3f: {  	_ =	shalt  }
0x40: {  	_ =	shalt  }
0x41: {  	_ =	shalt  }
0x42: {  	_ =	shalt  }
0x43: {  	_ =	shalt  }
0x44: {  	_ =	shalt  }
0x45: {  	_ =	shalt  }
0x46: {  	_ =	shalt  }
0x47: {  	_ =	shalt  }
0x48: {  	_ =	shalt  }
0x49: {  	_ =	shalt  }
0x4a: {  	_ =	shalt  }
0x4b: {  	_ =	shalt  }
0x4c: {  	_ =	shalt  }
0x4d: {  	_ =	shalt  }
0x4e: {  	_ =	shalt  }
0x4f: {  	_ =	shalt  }
0x50: {  	_ =	shalt  }
0x51: {  	_ =	shalt  }
0x52: {  	_ =	shalt  }
0x53: {  	_ =	shalt  }
0x54: {  	_ =	shalt  }
0x55: {  	_ =	shalt  }
0x56: {  	_ =	shalt  }
0x57: {  	_ =	shalt  }
0x58: {  	_ =	shalt  }
0x59: {  	_ =	shalt  }
0x5a: {  	_ =	shalt  }
0x5b: {  	_ =	shalt  }
0x5c: {  	_ =	shalt  }
0x5d: {  	_ =	shalt  }
0x5e: {  	_ =	shalt  }
0x5f: {  	_ =	shalt  }
0x60: {  	_ =	shalt  }
0x61: {  	_ =	shalt  }
0x62: {  	_ =	shalt  }
0x63: {  	_ =	shalt  }
0x64: {  	_ =	shalt  }
0x65: {  	_ =	shalt  }
0x66: {  	_ =	shalt  }
0x67: {  	_ =	shalt  }
0x68: {  	_ =	shalt  }
0x69: {  	_ =	shalt  }
0x6a: {  	_ =	shalt  }
0x6b: {  	_ =	shalt  }
0x6c: {  	_ =	shalt  }
0x6d: {  	_ =	shalt  }
0x6e: {  	_ =	shalt  }
0x6f: {  	_ =	shalt  }
0x70: {  	_ =	shalt  }
0x71: {  	_ =	shalt  }
0x72: {  	_ =	shalt  }
0x73: {  	_ =	shalt  }
0x74: {  	_ =	shalt  }
0x75: {  	_ =	shalt  }
0x76: {  	_ =	shalt  }
0x77: {  	_ =	shalt  }
0x78: {  	_ =	shalt  }
0x79: {  	_ =	shalt  }
0x7a: {  	_ =	shalt  }
0x7b: {  	_ =	shalt  }
0x7c: {  	_ =	shalt  }
0x7d: {  	_ =	shalt  }
0x7e: {  	_ =	shalt  }
0x7f: {  	_ =	shalt  }
0x80: {  	_ =	shalt  }
0x81: {  	_ =	shalt  }
0x82: {  	_ =	shalt  }
0x83: {  	_ =	shalt  }
0x84: {  	_ =	shalt  }
0x85: {  	_ =	shalt  }
0x86: {  	_ =	shalt  }
0x87: {  	_ =	shalt  }
.Lfunc_end0:
.L_simem_size_0:
called_computation_lowered:
.L_overlay_start_0:
0x88: {  	s2 =	sld [smem:$0x3FD9]  }
0x89: {  	s3 =	sld [smem:$0x3FFE];
	_ =	sdelay $0x1  }
0x8a: {  	s1 =	srdreg.scid  }
0x8b: {  	s0 =	sand.u32 $0x1, s1  }
0x8c: {  	s17 =	sshll.u32 s0, $0xA;
	s2 =	sadd.s32 s3, s2  }
0x8d: {  	s2 =	sadd.s32 s2, s17  }
0x8e: {  	[smem:$0x3FC4] =	sst s2  }
0x8f: {  	_ = 	snop  }
0x90: {  	s2 =	sld [smem:$0x3FC8]  }
0x91: {  	s18 =	sld [smem:$0x3FC6];
	(tm) =	ssettm $0x1  }
0x92: {  	s4 =	sld [smem:$0x3FFB];
	_ =	sdelay $0x3  }
0x93: {  	_ =	strace s4  }
0x94: {  	s4 =	sld [smem:$0x3FFC];
	_ =	sdelay $0x3  }
0x95: {  	_ =	strace s4  }
0x96: {  	s4 =	sld [smem:$0x3FFD];
	_ =	sdelay $0x3  }
0x97: {  	_ =	strace s4  }
0x98: {  	_ =	strace $0x8FFFFFFF  }
0x99: {  	s19 =	sld [smem:$0x3FDB];
	_ =	sdelay $0x1  }
0x9a: {  	s5 =	simm.s32 $_scs_section_size  }
0x9b: {  	s6 =	simm.s32 $_size__tile_overlayer_lowered;
	s7 =	simm.s32 $_tile_overlayer_lowered  }
0x9c: {  	s22 =	simm.s32 $0x1BFF;
	s21 =	sshll.u32 s7, $0x1;
	s4 =	sadd.s32 s5, s19  }
0x9d: {  	s8 =	simm.s32 $0x0;
	s20 =	sshll.u32 s6, $0x1;
	s6 =	sadd.s32 s21, s4  }
0x9e: {  	[timem:s8], [sflag:s22] =	dma.local [hbm:s6], s20  }
0x9f: {  	_ =	swait.ge [sflag:s22], s20  }
0xa0: {  	s5 =	ssub.s32 $0x0, s20;
	[sflag:s22] =	ssyncset.done $0x0  }
0xa1: {  	[sflag:s22] =	ssyncadd.s32 s5;
	_ =	sdelay $0x1  }
0xa2: {  	s23 =	simm.s32 $0x1B8B  }
0xa3: {  	_ =	swait.ge [sflag:s23], $0x1  }
0xa4: {  	[sflag:s23] =	ssyncset.done $0x0  }
0xa5: {  	s25 =	simm.s32 $0x1B8E;
	s24 =	sld [smem:$0x3FFE];
	[sflag:s23] =	ssyncadd.s32 $0xFFFFFFFF  }
0xa6: {  	s26 =	simm.s32 $execute0_lowered;
	[smem:$0x3FD2] =	sst s25  }
0xa7: {  	s6 =	sshll.u32 s26, $0x1;
	_ =	strace $0x80000046;
	[dreg:$0x1] =	wrdreg $0xFFFFFFFF  }
0xa8: {  	s28 =	simm.s32 $_size_execute0_lowered;
	s4 =	sadd.s32 s4, s6;
	[dreg:$0x0] =	wrdreg $0x0  }
0xa9: {  	s6 =	sshll.u32 s28, $0x1;
	[dreg:$0x2] =	wrdreg s4  }
0xaa: {  	[dreg:$0x3] =	wrdreg s6  }
0xab: {  	[dreg:$0x4] =	wrdreg $0xC0  }
0xac: {  	_ =	task [dreg:s8], $0x5FFFF  }
0xad: {  	[dreg:$0x1] =	wrdreg $0xFFFFFFFF  }
0xae: {  	[dreg:$0x0] =	wrdreg $0x60  }
0xaf: {  	[dreg:$0x2] =	wrdreg s2  }
0xb0: {  	[dreg:$0x3] =	wrdreg s18  }
0xb1: {  	[dreg:$0x4] =	wrdreg s24  }
0xb2: {  	[dreg:$0x5] =	wrdreg $0x9  }
0xb3: {  	_ =	task.clear_ibuf [dreg:s8], $0x6FFFF;
	_ =	strace $0x90000046  }
0xb4: {  	s29 =	simm.s32 $0x9;
	_ =	strace $0x80000048  }
0xb5: {  	_ =	swait.ge [sflag:s29], $0x1  }
0xb6: {  	[sflag:s29] =	ssyncadd.s32 $0xFFFFFFFF  }
0xb7: {  	_ =	strace $0x90000048  }
0xb8: {  	_ =	sfence  }
0xb9: {  	s30 =	sld [smem:$0x0];
	_ =	sdelay $0x2  }
0xba: {  	s31 =	sshll.u32 s1, $0xD;
	s1 =	sshrl.u32 s1, $0x2  }
0xbb: {  	s3 =	sand.u32 $0x4000, s31;
	s1 =	sadd.s32 s1, s30  }
0xbc: {  	s0 =	sor.u32 s3, s0;
	s1 =	sshll.u32 s1, $0x11  }
0xbd: {  	s0 =	sor.u32 s1, s0  }
0xbe: {  	s0 =	sadd.s32 $0x8F2B, s0  }
0xbf: {  	[sflag:s0] =	ssyncadd.remote.s32 $0x1  }
0xc0: {  	_ =	sfence.sel $0xFFFF  }
0xc1: {  	[dreg:$0x0] =	wrdreg $0xFFFFFFFF;
	(pc) =	sbr.abs _section_cstart, $3  }
0xc2: {  	[dreg:$0x1] =	wrdreg $0xFFFFFFFF  }
0xc3: {  	_ =	task.clear_ibuf [dreg:s8], $0x2FFFF;
	_ =	strace $0x9FFFFFFF  }
0xc4: {  	(tm) =	ssettm $0x7FFFFFFF  }
0xc5: {  	_ =	shalt  }
tec
execute0_lowered:
.L_overlay_start_1:
0x0: {  	(tag) =	ssettag $0x1  }
0x1: {  	s1 =	rddreg [dreg:$0x0]  }
0x2: {  	s2 =	srdreg.scid;
	s5 =	rddreg [dreg:$0x1]  }
0x3: {  	s0 =	stileid.u32;
	s7 =	rddreg [dreg:$0x2];
	s3 =	simm.s32 $0x0  }
0x4: {  	s11 =	simm.s32 $0x80;
	s12 =	simm.s32 $0x4E40;
	s13 =	simm.s32 $0x4CC0  }
0x5: {  	s14 =	simm.s32 $0x6E40;
	s15 =	simm.s32 $0x4D40;
	s16 =	simm.s32 $0x8E40  }
0x6: {  	s17 =	simm.s32 $0x4DC0;
	s18 =	simm.s32 $0xAE40;
	s20 =	simm.s32 $0x1  }
0x7: {  	s6 =	sand.u32 $0x1, s2;
	s30 =	sshll.u32 s0, $0x1;
	s2 =	rddreg [dreg:$0x3]  }
0x8: {  	s21 =	simm.s32 $0x0;
	[smem:$0x7FF] =	sst s3;
	s8 =	sor.u32 s6, s30  }
0x9: {  	s4 =	sadd.s32 $0x188000, s7;
	_ =	strace $0x80000047;
	s19 =	smul.u32 $0xC40, s8  }
0xa: {  	s6 =	ssub.s32 $0x2, s6;
	s10 =	sshll.u32 s8, $0xC;
	s8 =	sshll.u32 s8, $0x6  }
0xb: {  	s31 =	sshrl.u32 s6, $0x1;
	s5 =	sadd.s32 s5, s8;
	s9 =	sshrl.u32 s19, $0x3  }
0xc: {  	v0 =	vmov s19;
	s19 =	simm.s32 $0x4000;
	s9 =	sadd.s32 s9, s7;
	s7 =	sadd.s32 s10, s7  }
0xd: {  	s10 =	ssub.s32 s6, s31;
	s6 =	sadd.s32 $0x21600, s9;
	s7 =	sadd.s32 $0x1600, s7  }
0xe: {  	v1 =	vimm.s32 $0xFFFFFFFF;
	v2 =	vlaneseq.u32;
	s8 =	smax.u32 s10, $0x1;
	s9 =	simm.s32 $0x4C40;
	s10 =	simm.s32 $0x2  }
.LBB2_1:
0xf: {  	[tilespmem:s9], [sflag:$0x2] =	stream.linear.gather [hbm4b:s5+s3], $0x200, $0x38;
	[tilespmem:$0xCE40] =	vst v63  }
0x10: {  	_ =	swait.ge [sflag:s10], $0x200  }
0x11: {  	[sflag:s10] =	ssyncset.done $0x0  }
0x12: {  	[sflag:s10] =	ssyncadd.s32 $0xFFFFFE00  }
0x13: {  	[tilespmem:s12], [sflag:$0x1] =	stream.indirect.gather [hbm4b:s4+s11], $0x40, s9, s11, $0xb8;
	[tilespmem:$0xCE40] =	vst v63  }
0x14: {  	_ = 	snop  }
0x15: {  	[tilespmem:s14], [sflag:$0x1] =	stream.indirect.gather [hbm4b:s4+s11], $0x40, s13, s11, $0xb8;
	[tilespmem:$0xCE40] =	vst v63  }
0x16: {  	_ = 	snop  }
0x17: {  	[tilespmem:s16], [sflag:$0x1] =	stream.indirect.gather [hbm4b:s4+s11], $0x40, s15, s11, $0xb8;
	[tilespmem:$0xCE40] =	vst v63  }
0x18: {  	s22 =	simm.s32 $0x40;
	s23 =	simm.s32 $0x0  }
0x19: {  	[tilespmem:s18], [sflag:$0x1] =	stream.indirect.gather [hbm4b:s4+s11], $0x40, s17, s11, $0xb8;
	[tilespmem:$0xCE40] =	vst v63  }
.LBB2_2:
0x1a: {  	p0 =	sne.s32 s22, $0x30C0;
	[tilespmem:s23+$0x4000] =	vst v1;
	s23 =	smov.u32 s22;
	s22 =	sadd.s32 $0x40, s22  }
.Ltmp0:
0x1b: {  	(pc) =	sbr.rel @p0 .LBB2_2-.Ltmp0, $2  }
0x1c: {  	_ =	sdelay $0x2  }
0x1d: {  	s23 =	sshra.s32 s23, $0x2  }
0x1e: {  	[tilespmem:s23+$0x4000] =	vst v1;
	s22 =	simm.s32 $0x0  }
0x1f: {  	[tilespmem:s22], [sflag:$0x2] =	stream.linear.gather [hbm4b:s1+s22], $0x4000, $0x38;
	[tilespmem:$0xCE40] =	vst v63  }
0x20: {  	_ =	swait.ge [sflag:s10], $0x4000  }
0x21: {  	[sflag:s10] =	ssyncset.done $0x0  }
0x22: {  	s23 =	simm.s32 $0x10;
	[sflag:s10] =	ssyncadd.s32 $0xFFFFC000  }
.LBB2_4:
0x23: {  	v3 =	vld [tilespmem:s23+$0xFFFFFFF0];
	_ =	sdelay $0x4  }
0x24: {  	v3 =	vsub.s32 v3, v0  }
0x25: {  	vm0 =	vgt.s32 v3, $0x0  }
0x26: {  	vm1 =	vlt.u32 v3, $0xC40;
	v3 =	vnsel vm0, $0x0, v3  }
0x27: {  	v3 =	vmin.u32 v3, $0xC3F;
	_ =	sdelay $0x3  }
0x28: {  	v4 =	vor.u32 s22, v2  }
0x29: {  	[tilespmem:v3+s19+$0x0] =	vst.idx.msk vm1, v4  }
0x2a: {  	v5 =	vld.idx.msk [tilespmem:v3+s19+$0x0], vm1;
	_ =	sdelay $0x4  }
0x2b: {  	vm12 =	vgt.s32 v4, v5  }
0x2c: {  	vm0 =	vmand vm1, vm12;
	_ =	sdelay $0x5  }
0x2d: {  	[tilespmem:v3+s19+$0x0] =	vst.idx.msk vm0, v4  }
0x2e: {  	v3 =	vld [tilespmem:s23+$0x0];
	_ =	sdelay $0x4  }
0x2f: {  	v3 =	vsub.s32 v3, v0  }
0x30: {  	vm13 =	vgt.s32 v3, $0x0  }
0x31: {  	vm14 =	vlt.u32 v3, $0xC40;
	v3 =	vnsel vm13, $0x0, v3  }
0x32: {  	v3 =	vmin.u32 v3, $0xC3F;
	_ =	sdelay $0x2  }
0x33: {  	s24 =	sadd.s32 $0x10, s22  }
0x34: {  	v62 =	vor.u32 s24, v2  }
0x35: {  	[tilespmem:v3+s19+$0x0] =	vst.idx.msk vm14, v62  }
0x36: {  	v63 =	vld.idx.msk [tilespmem:v3+s19+$0x0], vm14;
	_ =	sdelay $0x4  }
0x37: {  	vm15 =	vgt.s32 v62, v63  }
0x38: {  	vm0 =	vmand vm14, vm15  }
0x39: {  	p0 =	sne.s32 s22, $0x3FE0  }
.Ltmp1:
0x3a: {  	_ = 	snop;
	(pc) =	sbr.rel @p0 .LBB2_4-.Ltmp1, $2  }
0x3b: {  	_ =	sdelay $0x2  }
0x3c: {  	s22 =	sadd.s32 $0x20, s22;
	s23 =	sadd.s32 $0x20, s23;
	[tilespmem:v3+s19+$0x0] =	vst.idx.msk vm0, v62  }
0x3d: {  	[hbm4b:s6+s3] =	stream.linear.scatter [tilespmem:s19], [sflag:$0x2], $0xC40, $0x38;
	[tilespmem:$0xCE40] =	vst v63  }
0x3e: {  	_ =	swait.ge [sflag:s10], $0xC40  }
0x3f: {  	[sflag:s10] =	ssyncset.done $0x0  }
0x40: {  	[sflag:s10] =	ssyncadd.s32 $0xFFFFF3C0  }
0x41: {  	_ =	swait.ge [sflag:s20], $0x2000  }
0x42: {  	[sflag:s20] =	ssyncset.done $0x0  }
0x43: {  	[sflag:s20] =	ssyncadd.s32 $0xFFFFE000  }
0x44: {  	_ =	swait.ge [sflag:s20], $0x2000  }
0x45: {  	[sflag:s20] =	ssyncset.done $0x0  }
0x46: {  	[sflag:s20] =	ssyncadd.s32 $0xFFFFE000  }
0x47: {  	_ =	swait.ge [sflag:s20], $0x2000  }
0x48: {  	[sflag:s20] =	ssyncset.done $0x0  }
0x49: {  	[sflag:s20] =	ssyncadd.s32 $0xFFFFE000  }
0x4a: {  	s21 =	sadd.s32 $0x1, s21;
	_ =	swait.ge [sflag:s20], $0x2000  }
0x4b: {  	p0 =	sne.s32 s21, s8;
	[sflag:s20] =	ssyncset.done $0x0  }
.Ltmp2:
0x4c: {  	[sflag:s20] =	ssyncadd.s32 $0xFFFFE000;
	(pc) =	sbr.rel @p0 .LBB2_1-.Ltmp2, $4  }
0x4d: {  	[hbm4b:s7+s3] =	stream.linear.scatter [tilespmem:s12], [sflag:$0x2], $0x8000, $0x38;
	[tilespmem:$0xCE40] =	vst v63  }
0x4e: {  	_ =	swait.ge [sflag:s10], $0x8000  }
0x4f: {  	[sflag:s10] =	ssyncset.done $0x0  }
0x50: {  	[sflag:s10] =	ssyncadd.s32 $0xFFFF8000  }
0x51: {  	_ =	sfence.sel $0x180000  }
0x52: {  	[bflag:$0x0] =	sbarrier.arrive $0xFFFF  }
0x53: {  	p0 =	sne.s32 s0, $0x0;
	_ =	strace $0x90000047  }
0x54: {  	s0 =	sadd.s32 @!p0 $0x100000, s2;
	[bflag:$0x2] =	sbarrier.arrive $0xFFFF  }
0x55: {  	[sflag:s0] =	ssyncadd.tile.s32 @!p0 $0x1;
	_ =	shalt  }
.Lfunc_end2:
_tile_overlayer_lowered:
.L_overlay_start_2:
0x56: {  	(tag) =	ssettag $0x2  }
0x57: {  	s0 =	rddreg [dreg:$0x0];
	s2 =	stileid.u32  }
0x58: {  	s1 =	rddreg [dreg:$0x1];
	p0 =	sne.s32 s2, $0x0  }
0x59: {  	s3 =	rddreg [dreg:$0x2];
	[bflag:$0x3] =	sbarrier.arrive $0xFFFF;
	s2 =	simm.s32 @!p0 $0x1C02  }
0x5a: {  	[timem:s3], [sflag:s2] =	dma.local @!p0 [hbm:s0], s1  }
0x5b: {  	s0 =	simm.s32 @!p0 $0x2  }
0x5c: {  	_ =	swait.ge @!p0 [sflag:s0], s1  }
0x5d: {  	s1 =	ssub.s32 @!p0 $0x0, s1;
	[sflag:s0] =	ssyncset.done @!p0 $0x0  }
0x5e: {  	[sflag:s0] =	ssyncadd.s32 @!p0 s1  }
0x5f: {  	[bflag:$0x3] =	sbarrier.arrive $0xFFFF  }
0x60: {  	_ =	shalt  }

// kernel: kernel.8.cloned.1.call-start
scs
__scs_entry_jumppad:
0x0: {  	(pc) =	sbr.rel $0x88, $3  }
0x1: {  	(tag) =	ssettag $0x0;
	lr =	simm.s32 $0x1  }
0x2: {  	[smem:$0x3F9D] =	sst lr;
	_ =	strace $0xD0000000  }
0x3: {  	_ = 	snop  }
0x4: {  	_ = 	snop  }
0x5: {  	_ = 	snop  }
0x6: {  	_ = 	snop  }
0x7: {  	_ = 	snop  }
__scs_overlays_trampoline_lowered:
0x8: {  	[smem:$0x3FAC] =	sst s0  }
0x9: {  	[smem:$0x3FAD] =	sst s1  }
0xa: {  	[smem:$0x3FAE] =	sst s2  }
0xb: {  	[smem:$0x3FAF] =	sst s3  }
0xc: {  	[smem:$0x3FB0] =	sst s4  }
0xd: {  	[smem:$0x3FB1] =	sst s5  }
0xe: {  	[smem:$0x3FB2] =	sst s6  }
0xf: {  	[smem:$0x3FB3] =	sst s7  }
0x10: {  	[smem:$0x3FB4] =	sst s8  }
0x11: {  	[smem:$0x3FB5] =	sst s9;
	s0 =	simm.s32 @!p0 $0x0  }
0x12: {  	s1 =	sld [smem:$0x3F9B];
	s0 =	simm.s32 @p0 $0x1  }
0x13: {  	[smem:$0x3FB6] =	sst s0;
	s0 =	simm.s32 @!p1 $0x0  }
0x14: {  	s2 =	sld [smem:$0x3F9A];
	s0 =	simm.s32 @p1 $0x1  }
0x15: {  	[smem:$0x3FB7] =	sst s0;
	s0 =	simm.s32 @!p2 $0x0  }
0x16: {  	s3 =	sld [smem:$0x3FDB];
	s0 =	simm.s32 @p2 $0x1  }
0x17: {  	s4 =	simm.s32 $0x1BF5;
	[smem:$0x3FB9] =	sst s0  }
0x18: {  	s0 =	sld [smem:$0x3F9C];
	_ =	swait.ge [sflag:s4], $0x0  }
0x19: {  	s7 =	sld [smem:$0x3F9D]  }
0x1a: {  	s8 =	sadd.s32 $0xFFFFE003, lr  }
0x1b: {  	s9 =	sadd.s32 $0xFFFFFEF7, lr;
	s5 =	simm.s32 $0xFFFFFFFF;
	p2 =	slt.u32 s8, $0xFFFFF086  }
0x1c: {  	p1 =	slt.u32 s9, $0xF7A;
	s5 =	simm.s32 @!p2 $0x0  }
0x1d: {  	s5 =	simm.s32 @p1 $0x1;
	p0 =	seq.s32 s7, s2  }
0x1e: {  	s7 =	smul.u32 @!p0 $0xF7A, s2;
	p2 =	seq.s32 @!p0 s5, $0x0  }
0x1f: {  	s9 =	smul.u32 $0xF7A, s1;
	s8 =	simm.s32 @!p0 $0x1BF5;
	p2 =	por !p2, p0  }
0x20: {  	[sflag:s8] =	ssyncset.s32 @!p0 $0xFFFFF086;
	s6 =	sadd.s32 @!p0 s3, s7;
	s7 =	simm.s32 @!p0 $0x108  }
0x21: {  	s3 =	sadd.s32 s3, s9;
	s6 =	sadd.s32 @!p0 $0x88, s6;
	s7 =	simm.s32 @p2 $0x1082  }
0x22: {  	[simem:s7], [sflag:s8] =	dma.local @!p0 [hbm:s6], $0xF7A  }
0x23: {  	s9 =	sor.u32 $0xD0000000, s2;
	s6 =	simm.s32 $0x108;
	_ =	swait.ge @!p0 [sflag:s8], $0x0  }
0x24: {  	s3 =	sadd.s32 $0x88, s3;
	s6 =	simm.s32 @!p1 $0x1082;
	[sflag:s4] =	ssyncset.s32 $0xFFFFF086  }
0x25: {  	[simem:s6], [sflag:s4] =	dma.local [hbm:s3], $0xF7A  }
0x26: {  	[smem:$0x3F9D] =	sst s1;
	(tag) =	ssettag s2;
	_ =	strace s9  }
0x27: {  	s1 =	sld [smem:$0x3FAD]  }
0x28: {  	s2 =	sld [smem:$0x3FAE]  }
0x29: {  	s4 =	sld [smem:$0x3FB0]  }
0x2a: {  	p0 =	seq.s32 s5, $0x0;
	s5 =	sld [smem:$0x3FB1]  }
0x2b: {  	s6 =	sld [smem:$0x3FB2]  }
0x2c: {  	s7 =	sld [smem:$0x3FB3]  }
0x2d: {  	s3 =	simm.s32 $0x108;
	s8 =	sld [smem:$0x3FB4]  }
0x2e: {  	s3 =	simm.s32 @!p0 $0x1082;
	s9 =	sld [smem:$0x3FB5]  }
0x2f: {  	lr =	sadd.s32 s0, s3;
	s0 =	sld [smem:$0x3FAC]  }
0x30: {  	s3 =	sld [smem:$0x3FAF]  }
0x31: {  	[smem:$0x3FB8] =	sst s10  }
0x32: {  	s10 =	sld [smem:$0x3FB6];
	_ =	sdelay $0x3  }
0x33: {  	p0 =	seq.s32 s10, $0x1;
	s10 =	sld [smem:$0x3FB8];
	_ =	sdelay $0x3  }
0x34: {  	[smem:$0x3FB8] =	sst s10  }
0x35: {  	s10 =	sld [smem:$0x3FB7];
	_ =	sdelay $0x3  }
0x36: {  	p1 =	seq.s32 s10, $0x1;
	s10 =	sld [smem:$0x3FB8];
	_ =	sdelay $0x3  }
0x37: {  	[smem:$0x3FB8] =	sst s10  }
0x38: {  	s10 =	sld [smem:$0x3FB9]  }
0x39: {  	_ = 	snop;
	(pc) =	sbr.ind lr, $3  }
0x3a: {  	_ = 	snop  }
0x3b: {  	_ = 	snop  }
0x3c: {  	p2 =	seq.s32 s10, $0x1;
	s10 =	sld [smem:$0x3FB8]  }
0x3d: {  	_ =	shalt  }
0x3e: {  	_ =	shalt  }
0x3f: {  	_ =	shalt  }
0x40: {  	_ =	shalt  }
0x41: {  	_ =	shalt  }
0x42: {  	_ =	shalt  }
0x43: {  	_ =	shalt  }
0x44: {  	_ =	shalt  }
0x45: {  	_ =	shalt  }
0x46: {  	_ =	shalt  }
0x47: {  	_ =	shalt  }
0x48: {  	_ =	shalt  }
0x49: {  	_ =	shalt  }
0x4a: {  	_ =	shalt  }
0x4b: {  	_ =	shalt  }
0x4c: {  	_ =	shalt  }
0x4d: {  	_ =	shalt  }
0x4e: {  	_ =	shalt  }
0x4f: {  	_ =	shalt  }
0x50: {  	_ =	shalt  }
0x51: {  	_ =	shalt  }
0x52: {  	_ =	shalt  }
0x53: {  	_ =	shalt  }
0x54: {  	_ =	shalt  }
0x55: {  	_ =	shalt  }
0x56: {  	_ =	shalt  }
0x57: {  	_ =	shalt  }
0x58: {  	_ =	shalt  }
0x59: {  	_ =	shalt  }
0x5a: {  	_ =	shalt  }
0x5b: {  	_ =	shalt  }
0x5c: {  	_ =	shalt  }
0x5d: {  	_ =	shalt  }
0x5e: {  	_ =	shalt  }
0x5f: {  	_ =	shalt  }
0x60: {  	_ =	shalt  }
0x61: {  	_ =	shalt  }
0x62: {  	_ =	shalt  }
0x63: {  	_ =	shalt  }
0x64: {  	_ =	shalt  }
0x65: {  	_ =	shalt  }
0x66: {  	_ =	shalt  }
0x67: {  	_ =	shalt  }
0x68: {  	_ =	shalt  }
0x69: {  	_ =	shalt  }
0x6a: {  	_ =	shalt  }
0x6b: {  	_ =	shalt  }
0x6c: {  	_ =	shalt  }
0x6d: {  	_ =	shalt  }
0x6e: {  	_ =	shalt  }
0x6f: {  	_ =	shalt  }
0x70: {  	_ =	shalt  }
0x71: {  	_ =	shalt  }
0x72: {  	_ =	shalt  }
0x73: {  	_ =	shalt  }
0x74: {  	_ =	shalt  }
0x75: {  	_ =	shalt  }
0x76: {  	_ =	shalt  }
0x77: {  	_ =	shalt  }
0x78: {  	_ =	shalt  }
0x79: {  	_ =	shalt  }
0x7a: {  	_ =	shalt  }
0x7b: {  	_ =	shalt  }
0x7c: {  	_ =	shalt  }
0x7d: {  	_ =	shalt  }
0x7e: {  	_ =	shalt  }
0x7f: {  	_ =	shalt  }
0x80: {  	_ =	shalt  }
0x81: {  	_ =	shalt  }
0x82: {  	_ =	shalt  }
0x83: {  	_ =	shalt  }
0x84: {  	_ =	shalt  }
0x85: {  	_ =	shalt  }
0x86: {  	_ =	shalt  }
0x87: {  	_ =	shalt  }
.Lfunc_end0:
.L_simem_size_0:
called_computation.1_lowered:
.L_overlay_start_0:
0x88: {  	s2 =	sld [smem:$0x3FD9]  }
0x89: {  	s3 =	sld [smem:$0x3FFE];
	_ =	sdelay $0x1  }
0x8a: {  	s1 =	srdreg.scid  }
0x8b: {  	s0 =	sand.u32 $0x1, s1  }
0x8c: {  	s17 =	sshll.u32 s0, $0xA;
	s2 =	sadd.s32 s3, s2  }
0x8d: {  	s2 =	sadd.s32 s2, s17  }
0x8e: {  	[smem:$0x3FC4] =	sst s2  }
0x8f: {  	_ = 	snop  }
0x90: {  	s2 =	sld [smem:$0x3FC6]  }
0x91: {  	s18 =	sld [smem:$0x3FD0];
	(tm) =	ssettm $0x1  }
0x92: {  	s4 =	sld [smem:$0x3FFB];
	_ =	sdelay $0x3  }
0x93: {  	_ =	strace s4  }
0x94: {  	s4 =	sld [smem:$0x3FFC];
	_ =	sdelay $0x3  }
0x95: {  	_ =	strace s4  }
0x96: {  	s4 =	sld [smem:$0x3FFD];
	_ =	sdelay $0x3  }
0x97: {  	_ =	strace s4  }
0x98: {  	_ =	strace $0x8FFFFFFF  }
0x99: {  	s19 =	sld [smem:$0x3FDB];
	_ =	sdelay $0x1  }
0x9a: {  	s5 =	simm.s32 $_scs_section_size  }
0x9b: {  	s6 =	simm.s32 $_size__tile_overlayer_lowered;
	s7 =	simm.s32 $_tile_overlayer_lowered  }
0x9c: {  	s22 =	simm.s32 $0x1BFF;
	s21 =	sshll.u32 s7, $0x1;
	s4 =	sadd.s32 s5, s19  }
0x9d: {  	s8 =	simm.s32 $0x0;
	s20 =	sshll.u32 s6, $0x1;
	s6 =	sadd.s32 s21, s4  }
0x9e: {  	[timem:s8], [sflag:s22] =	dma.local [hbm:s6], s20  }
0x9f: {  	_ =	swait.ge [sflag:s22], s20  }
0xa0: {  	s5 =	ssub.s32 $0x0, s20;
	[sflag:s22] =	ssyncset.done $0x0  }
0xa1: {  	[sflag:s22] =	ssyncadd.s32 s5;
	_ =	sdelay $0x1  }
0xa2: {  	s23 =	simm.s32 $0x1B8B  }
0xa3: {  	_ =	swait.ge [sflag:s23], $0x1  }
0xa4: {  	[sflag:s23] =	ssyncset.done $0x0  }
0xa5: {  	s25 =	simm.s32 $0x1B8E;
	s24 =	sld [smem:$0x3FFE];
	[sflag:s23] =	ssyncadd.s32 $0xFFFFFFFF  }
0xa6: {  	s26 =	simm.s32 $execute0_lowered;
	[smem:$0x3FD2] =	sst s25  }
0xa7: {  	s6 =	sshll.u32 s26, $0x1;
	_ =	strace $0x80000049;
	[dreg:$0x1] =	wrdreg $0xFFFFFFFF  }
0xa8: {  	s28 =	simm.s32 $_size_execute0_lowered;
	s4 =	sadd.s32 s4, s6;
	[dreg:$0x0] =	wrdreg $0x0  }
0xa9: {  	s6 =	sshll.u32 s28, $0x1;
	[dreg:$0x2] =	wrdreg s4  }
0xaa: {  	[dreg:$0x3] =	wrdreg s6  }
0xab: {  	[dreg:$0x4] =	wrdreg $0xC0  }
0xac: {  	_ =	task [dreg:s8], $0x5FFFF  }
0xad: {  	[dreg:$0x1] =	wrdreg $0xFFFFFFFF  }
0xae: {  	[dreg:$0x0] =	wrdreg $0x60  }
0xaf: {  	[dreg:$0x2] =	wrdreg s24  }
0xb0: {  	[dreg:$0x3] =	wrdreg s18  }
0xb1: {  	[dreg:$0x4] =	wrdreg s2  }
0xb2: {  	[dreg:$0x5] =	wrdreg $0x9  }
0xb3: {  	_ =	task.clear_ibuf [dreg:s8], $0x6FFFF;
	_ =	strace $0x90000049  }
0xb4: {  	s29 =	simm.s32 $0x9;
	_ =	strace $0x8000004B  }
0xb5: {  	_ =	swait.ge [sflag:s29], $0x1  }
0xb6: {  	[sflag:s29] =	ssyncadd.s32 $0xFFFFFFFF  }
0xb7: {  	_ =	strace $0x9000004B  }
0xb8: {  	_ =	sfence  }
0xb9: {  	s30 =	sld [smem:$0x0];
	_ =	sdelay $0x2  }
0xba: {  	s31 =	sshll.u32 s1, $0xD;
	s1 =	sshrl.u32 s1, $0x2  }
0xbb: {  	s3 =	sand.u32 $0x4000, s31;
	s1 =	sadd.s32 s1, s30  }
0xbc: {  	s0 =	sor.u32 s3, s0;
	s1 =	sshll.u32 s1, $0x11  }
0xbd: {  	s0 =	sor.u32 s1, s0  }
0xbe: {  	s0 =	sadd.s32 $0x8F2B, s0  }
0xbf: {  	[sflag:s0] =	ssyncadd.remote.s32 $0x1  }
0xc0: {  	_ =	sfence.sel $0xFFFF  }
0xc1: {  	[dreg:$0x0] =	wrdreg $0xFFFFFFFF;
	(pc) =	sbr.abs _section_cstart, $3  }
0xc2: {  	[dreg:$0x1] =	wrdreg $0xFFFFFFFF  }
0xc3: {  	_ =	task.clear_ibuf [dreg:s8], $0x2FFFF;
	_ =	strace $0x9FFFFFFF  }
0xc4: {  	(tm) =	ssettm $0x7FFFFFFF  }
0xc5: {  	_ =	shalt  }
tec
execute0_lowered:
.L_overlay_start_1:
0x0: {  	(tag) =	ssettag $0x1  }
0x1: {  	s5 =	rddreg [dreg:$0x0]  }
0x2: {  	s1 =	rddreg [dreg:$0x1]  }
0x3: {  	s6 =	rddreg [dreg:$0x2]  }
0x4: {  	s0 =	rddreg [dreg:$0x3];
	s4 =	srdreg.scid  }
0x5: {  	s3 =	simm.s32 $0x0;
	s2 =	stileid.u32;
	s4 =	sand.u32 $0x1, s4  }
0x6: {  	[smem:$0x7FF] =	sst s3;
	s7 =	sshll.u32 s2, $0xA;
	s13 =	sadd.s32 $0x25000, s5  }
0x7: {  	s8 =	sshll.u32 s4, $0x9;
	_ =	strace $0x8000004A;
	s31 =	ssub.s32 $0x2, s4  }
0x8: {  	s4 =	sadd.s32 $0x21600, s5;
	s10 =	sor.u32 s8, s7;
	s9 =	sshrl.u32 s31, $0x1  }
0x9: {  	s8 =	sshrl.u32 s10, $0x3;
	s12 =	ssub.s32 s31, s9;
	s9 =	sor.u32 $0x10, s10  }
0xa: {  	s29 =	sor.u32 $0x20, s10;
	s14 =	sor.u32 $0x30, s10;
	s15 =	sor.u32 $0x40, s10  }
0xb: {  	s16 =	sor.u32 $0x50, s10;
	s17 =	sor.u32 $0x60, s10;
	s18 =	sor.u32 $0x70, s10  }
0xc: {  	s19 =	sor.u32 $0x80, s10;
	s20 =	sor.u32 $0x90, s10;
	s21 =	sor.u32 $0xA0, s10  }
0xd: {  	s22 =	sor.u32 $0xB0, s10;
	s23 =	sor.u32 $0xC0, s10;
	s24 =	sor.u32 $0xD0, s10  }
0xe: {  	s30 =	sshll.u32 s10, $0x3;
	s25 =	sor.u32 $0xE0, s10;
	s26 =	sor.u32 $0xF0, s10  }
0xf: {  	v31 =	vlaneseq.u32;
	s28 =	sor.u32 $0x100, s10;
	s11 =	sadd.s32 s8, s5;
	s5 =	sadd.s32 s6, s8  }
0x10: {  	s6 =	sadd.s32 s13, s30;
	s31 =	sshll.u32 s19, $0x3;
	v0 =	vor.u32 s9, v31;
	s9 =	sor.u32 $0x110, s10  }
0x11: {  	v1 =	vor.u32 s29, v31;
	s29 =	sor.u32 $0x120, s10;
	s30 =	sor.u32 $0x130, s10;
	v2 =	vor.u32 s14, v31;
	s14 =	sor.u32 $0x140, s10  }
0x12: {  	v3 =	vor.u32 s15, v31;
	v4 =	vor.u32 s16, v31;
	s15 =	sor.u32 $0x150, s10;
	s16 =	sor.u32 $0x160, s10;
	v5 =	vor.u32 s17, v31;
	s17 =	sor.u32 $0x170, s10  }
0x13: {  	v6 =	vor.u32 s18, v31;
	v7 =	vor.u32 s19, v31;
	s18 =	sor.u32 $0x180, s10;
	s19 =	sor.u32 $0x190, s10;
	v8 =	vor.u32 s20, v31;
	s20 =	sor.u32 $0x1A0, s10  }
0x14: {  	v9 =	vor.u32 s21, v31;
	v10 =	vor.u32 s22, v31;
	s21 =	sor.u32 $0x1B0, s10;
	s22 =	sor.u32 $0x1C0, s10;
	v11 =	vor.u32 s23, v31;
	s23 =	sor.u32 $0x1D0, s10  }
0x15: {  	v12 =	vor.u32 s24, v31;
	s24 =	sshll.u32 s28, $0x3;
	v15 =	vor.u32 s28, v31;
	s28 =	sor.u32 $0x1E0, s10;
	s7 =	sadd.s32 s13, s31  }
0x16: {  	v19 =	vor.u32 s10, v31;
	v13 =	vor.u32 s25, v31;
	v14 =	vor.u32 s26, v31;
	s25 =	sshll.u32 s18, $0x3;
	s8 =	sadd.s32 s13, s24;
	s31 =	sor.u32 $0x1F0, s10  }
0x17: {  	v16 =	vor.u32 s9, v31;
	v17 =	vor.u32 s29, v31;
	v18 =	vor.u32 s30, v31;
	s10 =	sadd.s32 $0x24800, s11;
	s11 =	smax.u32 s12, $0x1;
	s12 =	simm.s32 $0x18800  }
0x18: {  	v20 =	vor.u32 s14, v31;
	v21 =	vor.u32 s15, v31;
	v22 =	vor.u32 s16, v31;
	s14 =	simm.s32 $0x1;
	s15 =	simm.s32 $0x80;
	s16 =	simm.s32 $0x18C00  }
0x19: {  	v23 =	vor.u32 s17, v31;
	v24 =	vor.u32 s18, v31;
	v25 =	vor.u32 s19, v31;
	s17 =	simm.s32 $0x18E00;
	s18 =	simm.s32 $0x18C80;
	s19 =	simm.s32 $0x1AE00  }
0x1a: {  	v26 =	vor.u32 s20, v31;
	v27 =	vor.u32 s21, v31;
	v28 =	vor.u32 s22, v31;
	s20 =	simm.s32 $0x2;
	s21 =	simm.s32 $0x18D00;
	s22 =	simm.s32 $0x18D80  }
0x1b: {  	v29 =	vor.u32 s23, v31;
	v30 =	vor.u32 s28, v31;
	s23 =	simm.s32 $0x18A00;
	s9 =	sadd.s32 s13, s25;
	s13 =	simm.s32 $0x3;
	v31 =	vor.u32 s31, v31  }
.LBB2_1:
0x1c: {  	[tilespmem:s3], [sflag:$0x1] =	stream.linear.gather [hbm4b:s4+s3], $0x18800, $0x38;
	[tilespmem:$0x1CE00] =	vst v63  }
0x1d: {  	_ = 	snop  }
0x1e: {  	[tilespmem:s12], [sflag:$0x3] =	stream.linear.gather [hbm4b:s5+s3], $0x200, $0x38;
	[tilespmem:$0x1CE00] =	vst v63  }
0x1f: {  	_ =	swait.ge [sflag:s13], $0x200  }
0x20: {  	[sflag:s13] =	ssyncset.done $0x0  }
0x21: {  	[sflag:s13] =	ssyncadd.s32 $0xFFFFFE00  }
0x22: {  	_ =	swait.ge [sflag:s14], $0x18800  }
0x23: {  	[sflag:s14] =	ssyncset.done $0x0  }
0x24: {  	[sflag:s14] =	ssyncadd.s32 $0xFFFE7800  }
0x25: {  	v32 =	vld [tilespmem:$0x18800];
	_ =	sdelay $0x6  }
0x26: {  	v33 =	vld [tilespmem:$0x18810]  }
0x27: {  	v32 =	vld.idx.msk [tilespmem:v32+s3+$0x0], $0xffff;
	_ =	sdelay $0x4  }
0x28: {  	vm0 =	vlt.s32 v32, $0x0  }
0x29: {  	[tilespmem:$0x18A00] =	vst v32;
	v32 =	vsel vm0, v19, v32  }
0x2a: {  	v62 =	vld [tilespmem:$0x18820];
	[tilespmem:$0x18C00] =	vst v32  }
0x2b: {  	v32 =	vld.idx.msk [tilespmem:v33+s3+$0x0], $0xffff;
	_ =	sdelay $0x4  }
0x2c: {  	vm9 =	vlt.s32 v32, $0x0  }
0x2d: {  	[tilespmem:$0x18A10] =	vst v32;
	v32 =	vsel vm9, v0, v32  }
0x2e: {  	v63 =	vld [tilespmem:$0x18830];
	[tilespmem:$0x18C10] =	vst v32  }
0x2f: {  	v32 =	vld.idx.msk [tilespmem:v62+s3+$0x0], $0xffff;
	_ =	sdelay $0x4  }
0x30: {  	vm10 =	vlt.s32 v32, $0x0  }
0x31: {  	[tilespmem:$0x18A20] =	vst v32;
	v32 =	vsel vm10, v1, v32  }
0x32: {  	v36 =	vld [tilespmem:$0x18840];
	[tilespmem:$0x18C20] =	vst v32  }
0x33: {  	v32 =	vld.idx.msk [tilespmem:v63+s3+$0x0], $0xffff;
	_ =	sdelay $0x4  }
0x34: {  	vm11 =	vlt.s32 v32, $0x0  }
0x35: {  	[tilespmem:$0x18A30] =	vst v32;
	v32 =	vsel vm11, v2, v32  }
0x36: {  	v37 =	vld [tilespmem:$0x18850];
	[tilespmem:$0x18C30] =	vst v32  }
0x37: {  	v32 =	vld.idx.msk [tilespmem:v36+s3+$0x0], $0xffff;
	_ =	sdelay $0x4  }
0x38: {  	vm12 =	vlt.s32 v32, $0x0  }
0x39: {  	[tilespmem:$0x18A40] =	vst v32;
	v32 =	vsel vm12, v3, v32  }
0x3a: {  	v38 =	vld [tilespmem:$0x18860];
	[tilespmem:$0x18C40] =	vst v32  }
0x3b: {  	v32 =	vld.idx.msk [tilespmem:v37+s3+$0x0], $0xffff;
	_ =	sdelay $0x4  }
0x3c: {  	vm13 =	vlt.s32 v32, $0x0  }
0x3d: {  	[tilespmem:$0x18A50] =	vst v32;
	v32 =	vsel vm13, v4, v32  }
0x3e: {  	v39 =	vld [tilespmem:$0x18870];
	[tilespmem:$0x18C50] =	vst v32  }
0x3f: {  	v32 =	vld.idx.msk [tilespmem:v38+s3+$0x0], $0xffff;
	_ =	sdelay $0x4  }
0x40: {  	vm14 =	vlt.s32 v32, $0x0  }
0x41: {  	[tilespmem:$0x18A60] =	vst v32;
	v32 =	vsel vm14, v5, v32  }
0x42: {  	v40 =	vld [tilespmem:$0x18880];
	[tilespmem:$0x18C60] =	vst v32  }
0x43: {  	v32 =	vld.idx.msk [tilespmem:v39+s3+$0x0], $0xffff;
	_ =	sdelay $0x4  }
0x44: {  	vm15 =	vlt.s32 v32, $0x0  }
0x45: {  	[tilespmem:$0x18A70] =	vst v32;
	v32 =	vsel vm15, v6, v32  }
0x46: {  	v41 =	vld [tilespmem:$0x18890];
	[tilespmem:$0x18C70] =	vst v32  }
0x47: {  	v32 =	vld.idx.msk [tilespmem:v40+s3+$0x0], $0xffff;
	_ =	sdelay $0x4  }
0x48: {  	vm4 =	vlt.s32 v32, $0x0  }
0x49: {  	[tilespmem:$0x18A80] =	vst v32;
	v32 =	vsel vm4, v7, v32  }
0x4a: {  	v42 =	vld [tilespmem:$0x188A0];
	[tilespmem:$0x18C80] =	vst v32  }
0x4b: {  	v32 =	vld.idx.msk [tilespmem:v41+s3+$0x0], $0xffff;
	_ =	sdelay $0x4  }
0x4c: {  	vm5 =	vlt.s32 v32, $0x0  }
0x4d: {  	[tilespmem:$0x18A90] =	vst v32;
	v32 =	vsel vm5, v8, v32  }
0x4e: {  	v43 =	vld [tilespmem:$0x188B0];
	[tilespmem:$0x18C90] =	vst v32  }
0x4f: {  	v32 =	vld.idx.msk [tilespmem:v42+s3+$0x0], $0xffff;
	_ =	sdelay $0x4  }
0x50: {  	vm6 =	vlt.s32 v32, $0x0  }
0x51: {  	[tilespmem:$0x18AA0] =	vst v32;
	v32 =	vsel vm6, v9, v32  }
0x52: {  	v44 =	vld [tilespmem:$0x188C0];
	[tilespmem:$0x18CA0] =	vst v32  }
0x53: {  	v32 =	vld.idx.msk [tilespmem:v43+s3+$0x0], $0xffff;
	_ =	sdelay $0x4  }
0x54: {  	vm7 =	vlt.s32 v32, $0x0  }
0x55: {  	[tilespmem:$0x18AB0] =	vst v32;
	v32 =	vsel vm7, v10, v32  }
0x56: {  	v45 =	vld [tilespmem:$0x188D0];
	[tilespmem:$0x18CB0] =	vst v32  }
0x57: {  	v32 =	vld.idx.msk [tilespmem:v44+s3+$0x0], $0xffff;
	_ =	sdelay $0x4  }
0x58: {  	vm8 =	vlt.s32 v32, $0x0  }
0x59: {  	[tilespmem:$0x18AC0] =	vst v32;
	v32 =	vsel vm8, v11, v32  }
0x5a: {  	v46 =	vld [tilespmem:$0x188E0];
	[tilespmem:$0x18CC0] =	vst v32  }
0x5b: {  	v32 =	vld.idx.msk [tilespmem:v45+s3+$0x0], $0xffff;
	_ =	sdelay $0x4  }
0x5c: {  	vm9 =	vlt.s32 v32, $0x0  }
0x5d: {  	[tilespmem:$0x18AD0] =	vst v32;
	v32 =	vsel vm9, v12, v32  }
0x5e: {  	v47 =	vld [tilespmem:$0x188F0];
	[tilespmem:$0x18CD0] =	vst v32  }
0x5f: {  	v32 =	vld.idx.msk [tilespmem:v46+s3+$0x0], $0xffff;
	_ =	sdelay $0x4  }
0x60: {  	vm10 =	vlt.s32 v32, $0x0  }
0x61: {  	[tilespmem:$0x18AE0] =	vst v32;
	v32 =	vsel vm10, v13, v32  }
0x62: {  	v48 =	vld [tilespmem:$0x18900];
	[tilespmem:$0x18CE0] =	vst v32  }
0x63: {  	v32 =	vld.idx.msk [tilespmem:v47+s3+$0x0], $0xffff;
	_ =	sdelay $0x4  }
0x64: {  	vm11 =	vlt.s32 v32, $0x0  }
0x65: {  	[tilespmem:$0x18AF0] =	vst v32;
	v32 =	vsel vm11, v14, v32  }
0x66: {  	v49 =	vld [tilespmem:$0x18910];
	[tilespmem:$0x18CF0] =	vst v32  }
0x67: {  	v32 =	vld.idx.msk [tilespmem:v48+s3+$0x0], $0xffff;
	_ =	sdelay $0x4  }
0x68: {  	vm12 =	vlt.s32 v32, $0x0  }
0x69: {  	[tilespmem:$0x18B00] =	vst v32;
	v32 =	vsel vm12, v15, v32  }
0x6a: {  	v50 =	vld [tilespmem:$0x18920];
	[tilespmem:$0x18D00] =	vst v32  }
0x6b: {  	v32 =	vld.idx.msk [tilespmem:v49+s3+$0x0], $0xffff;
	_ =	sdelay $0x4  }
0x6c: {  	vm13 =	vlt.s32 v32, $0x0  }
0x6d: {  	[tilespmem:$0x18B10] =	vst v32;
	v32 =	vsel vm13, v16, v32  }
0x6e: {  	v51 =	vld [tilespmem:$0x18930];
	[tilespmem:$0x18D10] =	vst v32  }
0x6f: {  	v32 =	vld.idx.msk [tilespmem:v50+s3+$0x0], $0xffff;
	_ =	sdelay $0x4  }
0x70: {  	vm14 =	vlt.s32 v32, $0x0  }
0x71: {  	[tilespmem:$0x18B20] =	vst v32;
	v32 =	vsel vm14, v17, v32  }
0x72: {  	v52 =	vld [tilespmem:$0x18940];
	[tilespmem:$0x18D20] =	vst v32  }
0x73: {  	v32 =	vld.idx.msk [tilespmem:v51+s3+$0x0], $0xffff;
	_ =	sdelay $0x4  }
0x74: {  	vm15 =	vlt.s32 v32, $0x0  }
0x75: {  	[tilespmem:$0x18B30] =	vst v32;
	v32 =	vsel vm15, v18, v32  }
0x76: {  	v53 =	vld [tilespmem:$0x18950];
	[tilespmem:$0x18D30] =	vst v32  }
0x77: {  	v32 =	vld.idx.msk [tilespmem:v52+s3+$0x0], $0xffff;
	_ =	sdelay $0x4  }
0x78: {  	vm4 =	vlt.s32 v32, $0x0  }
0x79: {  	[tilespmem:$0x18B40] =	vst v32;
	v32 =	vsel vm4, v20, v32  }
0x7a: {  	v54 =	vld [tilespmem:$0x18960];
	[tilespmem:$0x18D40] =	vst v32  }
0x7b: {  	v32 =	vld.idx.msk [tilespmem:v53+s3+$0x0], $0xffff;
	_ =	sdelay $0x4  }
0x7c: {  	vm5 =	vlt.s32 v32, $0x0  }
0x7d: {  	[tilespmem:$0x18B50] =	vst v32;
	v32 =	vsel vm5, v21, v32  }
0x7e: {  	v55 =	vld [tilespmem:$0x18970];
	[tilespmem:$0x18D50] =	vst v32  }
0x7f: {  	v32 =	vld.idx.msk [tilespmem:v54+s3+$0x0], $0xffff;
	_ =	sdelay $0x4  }
0x80: {  	vm6 =	vlt.s32 v32, $0x0  }
0x81: {  	[tilespmem:$0x18B60] =	vst v32;
	v32 =	vsel vm6, v22, v32  }
0x82: {  	v56 =	vld [tilespmem:$0x18980];
	[tilespmem:$0x18D60] =	vst v32  }
0x83: {  	v32 =	vld.idx.msk [tilespmem:v55+s3+$0x0], $0xffff;
	_ =	sdelay $0x4  }
0x84: {  	vm7 =	vlt.s32 v32, $0x0  }
0x85: {  	[tilespmem:$0x18B70] =	vst v32;
	v32 =	vsel vm7, v23, v32  }
0x86: {  	v57 =	vld [tilespmem:$0x18990];
	[tilespmem:$0x18D70] =	vst v32  }
0x87: {  	v32 =	vld.idx.msk [tilespmem:v56+s3+$0x0], $0xffff;
	_ =	sdelay $0x4  }
0x88: {  	vm8 =	vlt.s32 v32, $0x0  }
0x89: {  	[tilespmem:$0x18B80] =	vst v32;
	v32 =	vsel vm8, v24, v32  }
0x8a: {  	v58 =	vld [tilespmem:$0x189A0];
	[tilespmem:$0x18D80] =	vst v32  }
0x8b: {  	v32 =	vld.idx.msk [tilespmem:v57+s3+$0x0], $0xffff;
	_ =	sdelay $0x4  }
0x8c: {  	vm9 =	vlt.s32 v32, $0x0  }
0x8d: {  	[tilespmem:$0x18B90] =	vst v32;
	v32 =	vsel vm9, v25, v32  }
0x8e: {  	v59 =	vld [tilespmem:$0x189B0];
	[tilespmem:$0x18D90] =	vst v32  }
0x8f: {  	v32 =	vld.idx.msk [tilespmem:v58+s3+$0x0], $0xffff;
	_ =	sdelay $0x4  }
0x90: {  	vm10 =	vlt.s32 v32, $0x0  }
0x91: {  	[tilespmem:$0x18BA0] =	vst v32;
	v32 =	vsel vm10, v26, v32  }
0x92: {  	v60 =	vld [tilespmem:$0x189C0];
	[tilespmem:$0x18DA0] =	vst v32  }
0x93: {  	v32 =	vld.idx.msk [tilespmem:v59+s3+$0x0], $0xffff;
	_ =	sdelay $0x4  }
0x94: {  	vm11 =	vlt.s32 v32, $0x0  }
0x95: {  	[tilespmem:$0x18BB0] =	vst v32;
	v32 =	vsel vm11, v27, v32  }
0x96: {  	v61 =	vld [tilespmem:$0x189D0];
	[tilespmem:$0x18DB0] =	vst v32  }
0x97: {  	v32 =	vld.idx.msk [tilespmem:v60+s3+$0x0], $0xffff;
	_ =	sdelay $0x4  }
0x98: {  	vm12 =	vlt.s32 v32, $0x0  }
0x99: {  	[tilespmem:$0x18BC0] =	vst v32;
	v32 =	vsel vm12, v28, v32  }
0x9a: {  	v62 =	vld [tilespmem:$0x189E0];
	[tilespmem:$0x18DC0] =	vst v32  }
0x9b: {  	v32 =	vld.idx.msk [tilespmem:v61+s3+$0x0], $0xffff;
	_ =	sdelay $0x4  }
0x9c: {  	vm13 =	vlt.s32 v32, $0x0  }
0x9d: {  	[tilespmem:$0x18BD0] =	vst v32;
	v32 =	vsel vm13, v29, v32  }
0x9e: {  	v63 =	vld [tilespmem:$0x189F0];
	[tilespmem:$0x18DD0] =	vst v32  }
0x9f: {  	v32 =	vld.idx.msk [tilespmem:v62+s3+$0x0], $0xffff;
	_ =	sdelay $0x4  }
0xa0: {  	vm14 =	vlt.s32 v32, $0x0  }
0xa1: {  	[tilespmem:$0x18BE0] =	vst v32;
	v32 =	vsel vm14, v30, v32  }
0xa2: {  	[tilespmem:$0x18DE0] =	vst v32  }
0xa3: {  	v32 =	vld.idx.msk [tilespmem:v63+s3+$0x0], $0xffff;
	_ =	sdelay $0x4  }
0xa4: {  	vm15 =	vlt.s32 v32, $0x0  }
0xa5: {  	[tilespmem:$0x18BF0] =	vst v32;
	v32 =	vsel vm15, v31, v32  }
0xa6: {  	[tilespmem:$0x18DF0] =	vst v32  }
0xa7: {  	[tilespmem:s17], [sflag:$0x2] =	stream.indirect.gather [hbm4b:s1+s15], $0x40, s16, s15, $0xb8;
	[tilespmem:$0x1CE00] =	vst v63  }
0xa8: {  	_ = 	snop  }
0xa9: {  	[tilespmem:s19], [sflag:$0x2] =	stream.indirect.gather [hbm4b:s1+s15], $0x40, s18, s15, $0xb8;
	[tilespmem:$0x1CE00] =	vst v63  }
0xaa: {  	_ =	swait.ge [sflag:s20], $0x2000  }
0xab: {  	[sflag:s20] =	ssyncset.done $0x0  }
0xac: {  	[sflag:s20] =	ssyncadd.s32 $0xFFFFE000  }
0xad: {  	[hbm4b:s6+s3] =	stream.linear.scatter [tilespmem:s17], [sflag:$0x3], $0x2000, $0x38;
	[tilespmem:$0x1CE00] =	vst v63  }
0xae: {  	_ =	swait.ge [sflag:s13], $0x2000  }
0xaf: {  	[sflag:s13] =	ssyncset.done $0x0  }
0xb0: {  	[sflag:s13] =	ssyncadd.s32 $0xFFFFE000  }
0xb1: {  	[tilespmem:s17], [sflag:$0x2] =	stream.indirect.gather [hbm4b:s1+s15], $0x40, s21, s15, $0xb8;
	[tilespmem:$0x1CE00] =	vst v63  }
0xb2: {  	_ =	swait.ge [sflag:s20], $0x2000  }
0xb3: {  	[sflag:s20] =	ssyncset.done $0x0  }
0xb4: {  	[sflag:s20] =	ssyncadd.s32 $0xFFFFE000  }
0xb5: {  	[hbm4b:s7+s3] =	stream.linear.scatter [tilespmem:s19], [sflag:$0x3], $0x2000, $0x38;
	[tilespmem:$0x1CE00] =	vst v63  }
0xb6: {  	_ =	swait.ge [sflag:s13], $0x2000  }
0xb7: {  	[sflag:s13] =	ssyncset.done $0x0  }
0xb8: {  	[sflag:s13] =	ssyncadd.s32 $0xFFFFE000  }
0xb9: {  	[tilespmem:s19], [sflag:$0x2] =	stream.indirect.gather [hbm4b:s1+s15], $0x40, s22, s15, $0xb8;
	[tilespmem:$0x1CE00] =	vst v63  }
0xba: {  	_ =	swait.ge [sflag:s20], $0x2000  }
0xbb: {  	[sflag:s20] =	ssyncset.done $0x0  }
0xbc: {  	[sflag:s20] =	ssyncadd.s32 $0xFFFFE000  }
0xbd: {  	[hbm4b:s8+s3] =	stream.linear.scatter [tilespmem:s17], [sflag:$0x3], $0x2000, $0x38;
	[tilespmem:$0x1CE00] =	vst v63  }
0xbe: {  	_ =	swait.ge [sflag:s13], $0x2000  }
0xbf: {  	[sflag:s13] =	ssyncset.done $0x0  }
0xc0: {  	[sflag:s13] =	ssyncadd.s32 $0xFFFFE000  }
0xc1: {  	_ =	swait.ge [sflag:s20], $0x2000  }
0xc2: {  	[sflag:s20] =	ssyncset.done $0x0  }
0xc3: {  	[sflag:s20] =	ssyncadd.s32 $0xFFFFE000  }
0xc4: {  	[hbm4b:s9+s3] =	stream.linear.scatter [tilespmem:s19], [sflag:$0x3], $0x2000, $0x38;
	[tilespmem:$0x1CE00] =	vst v63  }
0xc5: {  	_ =	swait.ge [sflag:s13], $0x2000  }
0xc6: {  	p0 =	sne.s32 s11, $0x1;
	[sflag:s13] =	ssyncset.done $0x0  }
.Ltmp0:
0xc7: {  	[sflag:s13] =	ssyncadd.s32 $0xFFFFE000;
	(pc) =	sbr.rel @p0 .LBB2_1-.Ltmp0, $4  }
0xc8: {  	[hbm4b:s10+s3] =	stream.linear.scatter [tilespmem:s23], [sflag:$0x3], $0x200, $0x38;
	[tilespmem:$0x1CE00] =	vst v63  }
0xc9: {  	_ =	swait.ge [sflag:s13], $0x200  }
0xca: {  	[sflag:s13] =	ssyncset.done $0x0  }
0xcb: {  	s11 =	sadd.s32 $0xFFFFFFFF, s11;
	[sflag:s13] =	ssyncadd.s32 $0xFFFFFE00  }
0xcc: {  	_ =	sfence.sel $0x180000  }
0xcd: {  	[bflag:$0x0] =	sbarrier.arrive $0xFFFF  }
0xce: {  	p0 =	sne.s32 s2, $0x0;
	_ =	strace $0x9000004A  }
0xcf: {  	s0 =	sadd.s32 @!p0 $0x100000, s0;
	[bflag:$0x2] =	sbarrier.arrive $0xFFFF  }
0xd0: {  	[sflag:s0] =	ssyncadd.tile.s32 @!p0 $0x1;
	_ =	shalt  }
.Lfunc_end2:
_tile_overlayer_lowered:
.L_overlay_start_2:
0xd1: {  	(tag) =	ssettag $0x2  }
0xd2: {  	s0 =	rddreg [dreg:$0x0];
	s2 =	stileid.u32  }
0xd3: {  	s1 =	rddreg [dreg:$0x1];
	p0 =	sne.s32 s2, $0x0  }
0xd4: {  	s3 =	rddreg [dreg:$0x2];
	[bflag:$0x3] =	sbarrier.arrive $0xFFFF;
	s2 =	simm.s32 @!p0 $0x1C03  }
0xd5: {  	[timem:s3], [sflag:s2] =	dma.local @!p0 [hbm:s0], s1  }
0xd6: {  	s0 =	simm.s32 @!p0 $0x3  }
0xd7: {  	_ =	swait.ge @!p0 [sflag:s0], s1  }
0xd8: {  	s1 =	ssub.s32 @!p0 $0x0, s1;
	[sflag:s0] =	ssyncset.done @!p0 $0x0  }
0xd9: {  	[sflag:s0] =	ssyncadd.s32 @!p0 s1  }
0xda: {  	[bflag:$0x3] =	sbarrier.arrive $0xFFFF  }
0xdb: {  	_ =	shalt  }

</sc_bundles>
